<compile_context>
chip_gen: v7x
topology: tpu7x:2x2x1
jax: 0.10.2.dev20260603
libtpu: 0.0.44.dev20260713+nightly
codegen_flags: <defaults>
</compile_context>

<pallas_src>
import jax
import jax.numpy as jnp
from jax import lax
from jax.experimental import pallas as pl
from jax.experimental.pallas import tpu as pltpu
from jax.experimental.pallas import tpu_sc as plsc

N = 10000
E = 320000
D = 128
DH = 64
NC = 2
NS = 16
CB = 128
EPT = 19968
RPT = 624
RB = 1000
NBLK = N // RB


def _make_agg(compute_deg):
  out_type = [jax.ShapeDtypeStruct((NC, N, DH), jnp.float32)]
  scratch = [
      pltpu.VMEM_SHARED((N, DH), jnp.float32),
      pltpu.VMEM_SHARED((N, DH), jnp.float32),
      pltpu.VMEM((CB,), jnp.int32),
      pltpu.VMEM((CB,), jnp.int32),
      pltpu.VMEM((CB, DH), jnp.float32),
  ]
  if compute_deg:
    out_type.append(jax.ShapeDtypeStruct((N,), jnp.float32))
    scratch += [
        pltpu.VMEM_SHARED((N,), jnp.float32),
        pltpu.VMEM((CB,), jnp.float32),
        pltpu.VMEM((640,), jnp.float32),
    ]
  mesh = plsc.VectorSubcoreMesh(
      core_axis_name="c", subcore_axis_name="s",
      num_cores=NC, num_subcores=NS)

  def body(*refs):
    if compute_deg:
      (h_hbm, src_hbm, dst_hbm, z2_hbm, agg_hbm, deg_hbm,
       shared_h, shared_agg, idx_s, idx_d, rows,
       shared_deg, ones_v, dbuf) = refs
    else:
      (h_hbm, src_hbm, dst_hbm, z2_hbm, agg_hbm,
       shared_h, shared_agg, idx_s, idx_d, rows) = refs
    c = lax.axis_index("c")
    s = lax.axis_index("s")

    def _rowcopy(mk_src, mk_dst):
      @pl.when(s < NS - 1)
      def _():
        pltpu.sync_copy(mk_src(s * RPT, RPT), mk_dst(s * RPT, RPT))
      @pl.when(s == NS - 1)
      def _():
        pltpu.sync_copy(mk_src(15 * RPT, 640), mk_dst(15 * RPT, 640))

    _rowcopy(lambda o, n: h_hbm.at[c, pl.ds(o, n)],
             lambda o, n: shared_h.at[pl.ds(o, n)])
    _rowcopy(lambda o, n: z2_hbm.at[pl.ds(o, n)],
             lambda o, n: shared_agg.at[pl.ds(o, n)])
    if compute_deg:
      for i in range(640 // 16):
        dbuf[pl.ds(i * 16, 16)] = jnp.zeros((16,), jnp.float32)
      @pl.when(jnp.logical_and(c == 0, s < NS - 1))
      def _():
        pltpu.sync_copy(dbuf, shared_deg.at[pl.ds(s * 640, 640)])
      @pl.when(jnp.logical_and(c == 0, s == NS - 1))
      def _():
        pltpu.sync_copy(dbuf.at[pl.ds(0, 400)],
                        shared_deg.at[pl.ds(9600, 400)])
      for i in range(CB // 16):
        ones_v[pl.ds(i * 16, 16)] = jnp.full((16,), 1.0, jnp.float32)
    plsc.subcore_barrier()

    base = s * EPT
    nch = jnp.where(s == NS - 1, 160, 156)

    def step(i, carry):
      off = base + i * CB
      pltpu.sync_copy(src_hbm.at[pl.ds(off, CB)], idx_s)
      pltpu.sync_copy(dst_hbm.at[pl.ds(off, CB)], idx_d)
      pltpu.sync_copy(shared_h.at[idx_s], rows)
      pltpu.sync_copy(rows, shared_agg.at[idx_d], add=True)
      if compute_deg:
        @pl.when(c == 0)
        def _():
          pltpu.sync_copy(ones_v, shared_deg.at[idx_d], add=True)
      return carry

    lax.fori_loop(0, nch, step, 0)
    plsc.subcore_barrier()
    _rowcopy(lambda o, n: shared_agg.at[pl.ds(o, n)],
             lambda o, n: agg_hbm.at[c, pl.ds(o, n)])
    if compute_deg:
      @pl.when(jnp.logical_and(c == 0, s < NS - 1))
      def _():
        pltpu.sync_copy(shared_deg.at[pl.ds(s * 640, 640)], dbuf)
        pltpu.sync_copy(dbuf, deg_hbm.at[pl.ds(s * 640, 640)])
      @pl.when(jnp.logical_and(c == 0, s == NS - 1))
      def _():
        pltpu.sync_copy(shared_deg.at[pl.ds(9600, 400)],
                        dbuf.at[pl.ds(0, 400)])
        pltpu.sync_copy(dbuf.at[pl.ds(0, 400)],
                        deg_hbm.at[pl.ds(9600, 400)])

  return pl.kernel(body, out_type=out_type, mesh=mesh, scratch_types=scratch)


_agg_cache = {}


def _agg_with_deg(*args):
  if True not in _agg_cache:
    _agg_cache[True] = _make_agg(True)
  return _agg_cache[True](*args)


def _agg_only(*args):
  if False not in _agg_cache:
    _agg_cache[False] = _make_agg(False)
  return _agg_cache[False](*args)


def _a_body(x_ref, w_ref, b_ref, h_ref, hs_ref):
  h = jnp.dot(x_ref[...], w_ref[...],
              preferred_element_type=jnp.float32) + b_ref[...]
  h_ref[...] = h
  hs_ref[0] = h[:, :DH]
  hs_ref[1] = h[:, DH:]


def _tc_a(x, W, b):
  return pl.pallas_call(
      _a_body,
      grid=(NBLK,),
      in_specs=[
          pl.BlockSpec((RB, D), lambda i: (i, 0)),
          pl.BlockSpec((D, D), lambda i: (0, 0)),
          pl.BlockSpec((1, D), lambda i: (0, 0)),
      ],
      out_specs=[
          pl.BlockSpec((RB, D), lambda i: (i, 0)),
          pl.BlockSpec((2, RB, DH), lambda i: (0, i, 0)),
      ],
      out_shape=[
          jax.ShapeDtypeStruct((N, D), jnp.float32),
          jax.ShapeDtypeStruct((2, N, DH), jnp.float32),
      ],
  )(x, W, b)


def _conv_post(agg_blk0, agg_blk1, deg_blk, w, b, g, bb):
  a = jnp.concatenate([agg_blk0, agg_blk1], axis=-1)
  d = jnp.maximum(deg_blk, 1.0)
  y = jnp.dot(a / d, w, preferred_element_type=jnp.float32) + b
  y = jnp.where(y >= 0, y, 0.1 * y)
  m = jnp.mean(y, axis=-1, keepdims=True)
  v = jnp.mean((y - m) ** 2, axis=-1, keepdims=True)
  return (y - m) * lax.rsqrt(v + 1e-5) * g + bb


def _b_body(agg_ref, deg_ref, w_ref, b_ref, g_ref, bb_ref, h_ref, hs_ref):
  y = _conv_post(agg_ref[0], agg_ref[1], deg_ref[...],
                 w_ref[...], b_ref[...], g_ref[...], bb_ref[...])
  h_ref[...] = y
  hs_ref[0] = y[:, :DH]
  hs_ref[1] = y[:, DH:]


def _tc_b(agg, deg, W, b, g, bb):
  return pl.pallas_call(
      _b_body,
      grid=(NBLK,),
      in_specs=[
          pl.BlockSpec((2, RB, DH), lambda i: (0, i, 0)),
          pl.BlockSpec((RB, 1), lambda i: (i, 0)),
          pl.BlockSpec((D, D), lambda i: (0, 0)),
          pl.BlockSpec((1, D), lambda i: (0, 0)),
          pl.BlockSpec((1, D), lambda i: (0, 0)),
          pl.BlockSpec((1, D), lambda i: (0, 0)),
      ],
      out_specs=[
          pl.BlockSpec((RB, D), lambda i: (i, 0)),
          pl.BlockSpec((2, RB, DH), lambda i: (0, i, 0)),
      ],
      out_shape=[
          jax.ShapeDtypeStruct((N, D), jnp.float32),
          jax.ShapeDtypeStruct((2, N, DH), jnp.float32),
      ],
  )(agg, deg, W, b, g, bb)


def _c_body(agg_ref, deg_ref, h1_ref, h0_ref, wc_ref, bc_ref, g_ref, bb_ref,
            wp1_ref, vp1_ref, wp0_ref, vp0_ref, wf_ref, bf_ref,
            out_ref, hf, h0f, s01):
  i = pl.program_id(0)

  @pl.when(i < NBLK)
  def _():
    y = _conv_post(agg_ref[0], agg_ref[1], deg_ref[...],
                   wc_ref[...], bc_ref[...], g_ref[...], bb_ref[...])
    h = h1_ref[...] + y
    h0 = h0_ref[...]
    hf[pl.ds(i * RB, RB)] = h
    h0f[pl.ds(i * RB, RB)] = h0
    s1 = jnp.dot(jnp.tanh(jnp.dot(h, wp1_ref[...],
                                  preferred_element_type=jnp.float32)),
                 vp1_ref[...], preferred_element_type=jnp.float32)
    s0 = jnp.dot(jnp.tanh(jnp.dot(h0, wp0_ref[...],
                                  preferred_element_type=jnp.float32)),
                 vp0_ref[...], preferred_element_type=jnp.float32)
    s01[pl.ds(i * RB, RB)] = jnp.concatenate([s1, s0], axis=-1)

  @pl.when(i == NBLK)
  def _():
    sc = s01[...]
    mx = jnp.max(sc, axis=0, keepdims=True)
    e = jnp.exp(sc - mx)
    z = jnp.sum(e, axis=0, keepdims=True)
    dn = (((0,), (0,)), ((), ()))
    p1 = lax.dot_general(e[:, 0:4], hf[...], dn,
                         preferred_element_type=jnp.float32)
    p0 = lax.dot_general(e[:, 4:8], h0f[...], dn,
                         preferred_element_type=jnp.float32)
    z1 = jnp.reshape(z[:, 0:4], (4, 1))
    z0 = jnp.reshape(z[:, 4:8], (4, 1))
    pooled = (jnp.mean(p1 / z1, axis=0, keepdims=True)
              + jnp.mean(p0 / z0, axis=0, keepdims=True))
    out_ref[...] = jnp.dot(pooled, wf_ref[...],
                           preferred_element_type=jnp.float32) + bf_ref[...]


def _tc_c(agg, deg, h1, h0, Wc, bc, g, bb, Wp1, vp1, Wp0, vp0, Wf, bf):
  blk = lambda i: (jnp.minimum(i, NBLK - 1), 0)
  blk3 = lambda i: (0, jnp.minimum(i, NBLK - 1), 0)
  full = lambda i: (0, 0)
  return pl.pallas_call(
      _c_body,
      grid=(NBLK + 1,),
      in_specs=[
          pl.BlockSpec((2, RB, DH), blk3),
          pl.BlockSpec((RB, 1), blk),
          pl.BlockSpec((RB, D), blk),
          pl.BlockSpec((RB, D), blk),
          pl.BlockSpec((D, D), full),
          pl.BlockSpec((1, D), full),
          pl.BlockSpec((1, D), full),
          pl.BlockSpec((1, D), full),
          pl.BlockSpec((D, D), full),
          pl.BlockSpec((D, 4), full),
          pl.BlockSpec((D, D), full),
          pl.BlockSpec((D, 4), full),
          pl.BlockSpec((D, 1), full),
          pl.BlockSpec((1, 1), full),
      ],
      out_specs=pl.BlockSpec((1, 1), full),
      out_shape=jax.ShapeDtypeStruct((1, 1), jnp.float32),
      scratch_shapes=[
          pltpu.VMEM((N, D), jnp.float32),
          pltpu.VMEM((N, D), jnp.float32),
          pltpu.VMEM((N, 8), jnp.float32),
      ],
  )(agg, deg, h1, h0, Wc, bc, g, bb, Wp1, vp1, Wp0, vp0, Wf, bf)


def kernel(x, edge_index, W_fc, b_fc, W_c1, b_c1, g_ln1, b_ln1,
           W_c2, b_c2, g_ln2, b_ln2, W_p1, v_p1, W_p0, v_p0, W_f, b_f):
  src = edge_index[0].astype(jnp.int32)
  dst = edge_index[1].astype(jnp.int32)
  z2 = jnp.zeros((N, DH), jnp.float32)

  h0, h0s = _tc_a(x, W_fc, b_fc.reshape(1, D))
  agg1, deg = _agg_with_deg(h0s, src, dst, z2)
  degc = deg.reshape(N, 1)
  h1, h1s = _tc_b(agg1, degc, W_c1, b_c1.reshape(1, D),
                  g_ln1.reshape(1, D), b_ln1.reshape(1, D))
  (agg2,) = _agg_only(h1s, src, dst, z2)
  out = _tc_c(agg2, degc, h1, h0, W_c2, b_c2.reshape(1, D),
              g_ln2.reshape(1, D), b_ln2.reshape(1, D),
              W_p1, v_p1, W_p0, v_p0, W_f, b_f.reshape(1, 1))
  return out

# --- scband reference (transcript-rebuilt; emitter-appended) ---
"""Pipeline reference for scband-graph-model999-14078902797034 (READ-ONLY COPY).

The authoritative reference and input builder live on the scoring server;
editing this copy changes nothing except your own understanding.
"""

import jax, jax.numpy as jnp
import numpy as np

N = 10000
E = 320000
D_IN = 128
D_H = 128
D_ATT = 128
HEADS = 4


def _layer_norm(x, g, b):
    m = jnp.mean(x, axis=-1, keepdims=True)
    v = jnp.var(x, axis=-1, keepdims=True)
    return (x - m) / jnp.sqrt(v + 1e-5) * g + b


def _leaky_relu(x):
    return jnp.where(x >= 0, x, 0.1 * x)


def _graph_conv(h, src, dst, W, b, n_nodes):
    # DGL-style GraphConvolution: mean-aggregate neighbor features, then linear
    msg = h[src]  # gather [E, D]
    agg = jax.ops.segment_sum(msg, dst, num_segments=n_nodes)  # scatter-add
    deg = jax.ops.segment_sum(jnp.ones((src.shape[0],), h.dtype), dst, num_segments=n_nodes)
    agg = agg / jnp.clip(deg, 1.0, None)[:, None]
    return agg @ W + b


def _attn_pool(h, W1, v):
    # multi-head attention pooling over all nodes of the (single) graph
    scores = jnp.tanh(h @ W1) @ v          # [N, HEADS]
    a = jax.nn.softmax(scores, axis=0)      # softmax over nodes
    pooled = a.T @ h                        # [HEADS, D_H]
    return jnp.mean(pooled, axis=0, keepdims=True)  # [1, D_H]


def setup_inputs(seed: int = 0) -> dict:
    key = jax.random.key(seed)
    ks = jax.random.split(key, 16)
    s = 0.02
    inp = {}
    inp['x'] = jax.random.normal(ks[0], (N, D_IN), dtype=jnp.float32)
    inp['edge_index'] = jax.random.randint(ks[1], (2, E), 0, N, dtype=jnp.int64)
    inp['W_fc'] = jax.random.normal(ks[2], (D_IN, D_H), dtype=jnp.float32) * s
    inp['b_fc'] = jnp.zeros((D_H,), jnp.float32)
    inp['W_c1'] = jax.random.normal(ks[3], (D_H, D_H), dtype=jnp.float32) * s
    inp['b_c1'] = jnp.zeros((D_H,), jnp.float32)
    inp['g_ln1'] = jnp.ones((D_H,), jnp.float32)
    inp['b_ln1'] = jnp.zeros((D_H,), jnp.float32)
    inp['W_c2'] = jax.random.normal(ks[4], (D_H, D_H), dtype=jnp.float32) * s
    inp['b_c2'] = jnp.zeros((D_H,), jnp.float32)
    inp['g_ln2'] = jnp.ones((D_H,), jnp.float32)
    inp['b_ln2'] = jnp.zeros((D_H,), jnp.float32)
    inp['W_p1'] = jax.random.normal(ks[5], (D_H, D_ATT), dtype=jnp.float32) * s
    inp['v_p1'] = jax.random.normal(ks[6], (D_ATT, HEADS), dtype=jnp.float32) * s
    inp['W_p0'] = jax.random.normal(ks[7], (D_H, D_ATT), dtype=jnp.float32) * s
    inp['v_p0'] = jax.random.normal(ks[8], (D_ATT, HEADS), dtype=jnp.float32) * s
    inp['W_f'] = jax.random.normal(ks[9], (D_H, 1), dtype=jnp.float32) * s
    inp['b_f'] = jnp.zeros((1,), jnp.float32)
    return inp


def reference(x, edge_index, W_fc, b_fc, W_c1, b_c1, g_ln1, b_ln1, W_c2, b_c2, g_ln2, b_ln2, W_p1, v_p1, W_p0, v_p0, W_f, b_f):
    src = edge_index[0]
    dst = edge_index[1]
    h = x @ W_fc + b_fc
    h0 = h
    h = _layer_norm(_leaky_relu(_graph_conv(h, src, dst, W_c1, b_c1, N)), g_ln1, b_ln1)
    h1 = h
    h = h1 + _layer_norm(_leaky_relu(_graph_conv(h, src, dst, W_c2, b_c2, N)), g_ln2, b_ln2)
    out1 = _attn_pool(h, W_p1, v_p1)
    out2 = _attn_pool(h0, W_p0, v_p0)
    output = (out1 + out2) @ W_f + b_f  # [1, 1]
    return output

if __name__ == "__main__":
    import jax
    _d = setup_inputs()
    print(jax.jit(kernel)(*tuple(_d.values())))

</pallas_src>

<mosaic_0001>
#map = affine_map<(d0, d1) -> (0, 0, 0)>
#map1 = affine_map<(d0, d1) -> (0)>
#map2 = affine_map<(d0, d1) -> (0, 0)>
module attributes {stable_mosaic.version = 14 : i64} {
  func.func @body(%arg0: i32, %arg1: i32, %arg2: memref<2x10000x64xf32, #tpu.memory_space<hbm>>, %arg3: memref<320000xi32, #tpu.memory_space<hbm>>, %arg4: memref<320000xi32, #tpu.memory_space<hbm>>, %arg5: memref<10000x64xf32, #tpu.memory_space<hbm>>, %arg6: memref<2x10000x64xf32, #tpu.memory_space<hbm>>, %arg7: memref<10000xf32, #tpu.memory_space<hbm>>, %arg8: memref<10000x64xf32, #tpu.memory_space<vmem_shared>>, %arg9: memref<10000x64xf32, #tpu.memory_space<vmem_shared>>, %arg10: memref<128xi32, #tpu.memory_space<vmem>>, %arg11: memref<128xi32, #tpu.memory_space<vmem>>, %arg12: memref<128x64xf32, #tpu.memory_space<vmem>>, %arg13: memref<10000xf32, #tpu.memory_space<vmem_shared>>, %arg14: memref<128xf32, #tpu.memory_space<vmem>>, %arg15: memref<640xf32, #tpu.memory_space<vmem>>) attributes {dimension_semantics = [#tpu.dimension_semantics<core_parallel>, #tpu.dimension_semantics<subcore_parallel>], iteration_bounds = array<i64: 2, 16>, scalar_prefetch = 0 : i64, scratch_operands = 8 : i64, tpu.core_type = #tpu.core_type<sc_vector_subcore>, window_params = [{transform_indices = #map}, {transform_indices = #map1}, {transform_indices = #map1}, {transform_indices = #map2}, {transform_indices = #map}, {transform_indices = #map1}]} {
    %lt3A = arith.constant 15 : i32
    %lt3A_0 = arith.cmpi slt, %arg1, %lt3A : i32
    %convert_element_type3A = arith.extui %lt3A_0 : i1 to i32
    %cond3A = arith.constant 0 : i32
    %cond3A_1 = arith.cmpi ne, %convert_element_type3A, %cond3A : i32
    scf.if %cond3A_1 {
      %mul3A_357 = arith.constant 624 : i32
      %mul3A_358 = arith.muli %arg1, %mul3A_357 : i32
      %mul3A_359 = arith.constant 624 : i32
      %mul3A_360 = arith.muli %arg1, %mul3A_359 : i32
      "tpu.region"() ({
        %run_scoped3A = tpu.sem_alloc : memref<!tpu.dma_semaphore, #tpu.memory_space<semaphore_mem>>
        %dma_start3A = arith.constant 0 : i32
        %dma_start3A_361 = tpu.memref_slice %arg8[%mul3A_360, %dma_start3A] : memref<10000x64xf32, #tpu.memory_space<vmem_shared>> -> memref<624x64xf32, #tpu.memory_space<vmem_shared>>
        %dma_start3A_362 = arith.constant 0 : i32
        %dma_start3A_363 = tpu.memref_slice %arg2[%arg0, %mul3A_358, %dma_start3A_362] : memref<2x10000x64xf32, #tpu.memory_space<hbm>> -> memref<1x624x64xf32, #tpu.memory_space<hbm>>
        %dma_start3A_364 = tpu.memref_squeeze %dma_start3A_363 : memref<1x624x64xf32, #tpu.memory_space<hbm>> -> memref<624x64xf32, #tpu.memory_space<hbm>>
        tpu.enqueue_dma source(%dma_start3A_364 : memref<624x64xf32, #tpu.memory_space<hbm>>) target(%dma_start3A_361 : memref<624x64xf32, #tpu.memory_space<vmem_shared>>) target_semaphore(%run_scoped3A : memref<!tpu.dma_semaphore, #tpu.memory_space<semaphore_mem>>)
        %dma_wait3A = arith.constant 0 : i32
        %dma_wait3A_365 = tpu.memref_slice %arg8[%mul3A_360, %dma_wait3A] : memref<10000x64xf32, #tpu.memory_space<vmem_shared>> -> memref<624x64xf32, #tpu.memory_space<vmem_shared>>
        %dma_wait3A_366 = arith.constant 0 : i32
        %dma_wait3A_367 = tpu.memref_slice %arg2[%arg0, %mul3A_358, %dma_wait3A_366] : memref<2x10000x64xf32, #tpu.memory_space<hbm>> -> memref<1x624x64xf32, #tpu.memory_space<hbm>>
        %dma_wait3A_368 = tpu.memref_squeeze %dma_wait3A_367 : memref<1x624x64xf32, #tpu.memory_space<hbm>> -> memref<624x64xf32, #tpu.memory_space<hbm>>
        tpu.wait_dma2 semaphore(%run_scoped3A : memref<!tpu.dma_semaphore, #tpu.memory_space<semaphore_mem>>) src(%dma_wait3A_368 : memref<624x64xf32, #tpu.memory_space<hbm>>) dst(%dma_wait3A_365 : memref<624x64xf32, #tpu.memory_space<vmem_shared>>)
        tpu.yield
      }) : () -> ()
    } else {
    }
    %eq3A = arith.constant 15 : i32
    %eq3A_2 = arith.cmpi eq, %arg1, %eq3A : i32
    %convert_element_type3A_3 = arith.extui %eq3A_2 : i1 to i32
    %cond3A_4 = arith.constant 0 : i32
    %cond3A_5 = arith.cmpi ne, %convert_element_type3A_3, %cond3A_4 : i32
    scf.if %cond3A_5 {
      "tpu.region"() ({
        %run_scoped3A = tpu.sem_alloc : memref<!tpu.dma_semaphore, #tpu.memory_space<semaphore_mem>>
        %dma_start3A = arith.constant 9360 : i32
        %dma_start3A_357 = arith.constant 0 : i32
        %dma_start3A_358 = tpu.memref_slice %arg8[%dma_start3A, %dma_start3A_357] : memref<10000x64xf32, #tpu.memory_space<vmem_shared>> -> memref<640x64xf32, #tpu.memory_space<vmem_shared>>
        %dma_start3A_359 = arith.constant 9360 : i32
        %dma_start3A_360 = arith.constant 0 : i32
        %dma_start3A_361 = tpu.memref_slice %arg2[%arg0, %dma_start3A_359, %dma_start3A_360] : memref<2x10000x64xf32, #tpu.memory_space<hbm>> -> memref<1x640x64xf32, #tpu.memory_space<hbm>>
        %dma_start3A_362 = tpu.memref_squeeze %dma_start3A_361 : memref<1x640x64xf32, #tpu.memory_space<hbm>> -> memref<640x64xf32, #tpu.memory_space<hbm>>
        tpu.enqueue_dma source(%dma_start3A_362 : memref<640x64xf32, #tpu.memory_space<hbm>>) target(%dma_start3A_358 : memref<640x64xf32, #tpu.memory_space<vmem_shared>>) target_semaphore(%run_scoped3A : memref<!tpu.dma_semaphore, #tpu.memory_space<semaphore_mem>>)
        %dma_wait3A = arith.constant 9360 : i32
        %dma_wait3A_363 = arith.constant 0 : i32
        %dma_wait3A_364 = tpu.memref_slice %arg8[%dma_wait3A, %dma_wait3A_363] : memref<10000x64xf32, #tpu.memory_space<vmem_shared>> -> memref<640x64xf32, #tpu.memory_space<vmem_shared>>
        %dma_wait3A_365 = arith.constant 9360 : i32
        %dma_wait3A_366 = arith.constant 0 : i32
        %dma_wait3A_367 = tpu.memref_slice %arg2[%arg0, %dma_wait3A_365, %dma_wait3A_366] : memref<2x10000x64xf32, #tpu.memory_space<hbm>> -> memref<1x640x64xf32, #tpu.memory_space<hbm>>
        %dma_wait3A_368 = tpu.memref_squeeze %dma_wait3A_367 : memref<1x640x64xf32, #tpu.memory_space<hbm>> -> memref<640x64xf32, #tpu.memory_space<hbm>>
        tpu.wait_dma2 semaphore(%run_scoped3A : memref<!tpu.dma_semaphore, #tpu.memory_space<semaphore_mem>>) src(%dma_wait3A_368 : memref<640x64xf32, #tpu.memory_space<hbm>>) dst(%dma_wait3A_364 : memref<640x64xf32, #tpu.memory_space<vmem_shared>>)
        tpu.yield
      }) : () -> ()
    } else {
    }
    %lt3A_6 = arith.constant 15 : i32
    %lt3A_7 = arith.cmpi slt, %arg1, %lt3A_6 : i32
    %convert_element_type3A_8 = arith.extui %lt3A_7 : i1 to i32
    %cond3A_9 = arith.constant 0 : i32
    %cond3A_10 = arith.cmpi ne, %convert_element_type3A_8, %cond3A_9 : i32
    scf.if %cond3A_10 {
      %mul3A_357 = arith.constant 624 : i32
      %mul3A_358 = arith.muli %arg1, %mul3A_357 : i32
      %mul3A_359 = arith.constant 624 : i32
      %mul3A_360 = arith.muli %arg1, %mul3A_359 : i32
      "tpu.region"() ({
        %run_scoped3A = tpu.sem_alloc : memref<!tpu.dma_semaphore, #tpu.memory_space<semaphore_mem>>
        %dma_start3A = arith.constant 0 : i32
        %dma_start3A_361 = tpu.memref_slice %arg9[%mul3A_360, %dma_start3A] : memref<10000x64xf32, #tpu.memory_space<vmem_shared>> -> memref<624x64xf32, #tpu.memory_space<vmem_shared>>
        %dma_start3A_362 = arith.constant 0 : i32
        %dma_start3A_363 = tpu.memref_slice %arg5[%mul3A_358, %dma_start3A_362] : memref<10000x64xf32, #tpu.memory_space<hbm>> -> memref<624x64xf32, #tpu.memory_space<hbm>>
        tpu.enqueue_dma source(%dma_start3A_363 : memref<624x64xf32, #tpu.memory_space<hbm>>) target(%dma_start3A_361 : memref<624x64xf32, #tpu.memory_space<vmem_shared>>) target_semaphore(%run_scoped3A : memref<!tpu.dma_semaphore, #tpu.memory_space<semaphore_mem>>)
        %dma_wait3A = arith.constant 0 : i32
        %dma_wait3A_364 = tpu.memref_slice %arg9[%mul3A_360, %dma_wait3A] : memref<10000x64xf32, #tpu.memory_space<vmem_shared>> -> memref<624x64xf32, #tpu.memory_space<vmem_shared>>
        %dma_wait3A_365 = arith.constant 0 : i32
        %dma_wait3A_366 = tpu.memref_slice %arg5[%mul3A_358, %dma_wait3A_365] : memref<10000x64xf32, #tpu.memory_space<hbm>> -> memref<624x64xf32, #tpu.memory_space<hbm>>
        tpu.wait_dma2 semaphore(%run_scoped3A : memref<!tpu.dma_semaphore, #tpu.memory_space<semaphore_mem>>) src(%dma_wait3A_366 : memref<624x64xf32, #tpu.memory_space<hbm>>) dst(%dma_wait3A_364 : memref<624x64xf32, #tpu.memory_space<vmem_shared>>)
        tpu.yield
      }) : () -> ()
    } else {
    }
    %eq3A_11 = arith.constant 15 : i32
    %eq3A_12 = arith.cmpi eq, %arg1, %eq3A_11 : i32
    %convert_element_type3A_13 = arith.extui %eq3A_12 : i1 to i32
    %cond3A_14 = arith.constant 0 : i32
    %cond3A_15 = arith.cmpi ne, %convert_element_type3A_13, %cond3A_14 : i32
    scf.if %cond3A_15 {
      "tpu.region"() ({
        %run_scoped3A = tpu.sem_alloc : memref<!tpu.dma_semaphore, #tpu.memory_space<semaphore_mem>>
        %dma_start3A = arith.constant 9360 : i32
        %dma_start3A_357 = arith.constant 0 : i32
        %dma_start3A_358 = tpu.memref_slice %arg9[%dma_start3A, %dma_start3A_357] : memref<10000x64xf32, #tpu.memory_space<vmem_shared>> -> memref<640x64xf32, #tpu.memory_space<vmem_shared>>
        %dma_start3A_359 = arith.constant 9360 : i32
        %dma_start3A_360 = arith.constant 0 : i32
        %dma_start3A_361 = tpu.memref_slice %arg5[%dma_start3A_359, %dma_start3A_360] : memref<10000x64xf32, #tpu.memory_space<hbm>> -> memref<640x64xf32, #tpu.memory_space<hbm>>
        tpu.enqueue_dma source(%dma_start3A_361 : memref<640x64xf32, #tpu.memory_space<hbm>>) target(%dma_start3A_358 : memref<640x64xf32, #tpu.memory_space<vmem_shared>>) target_semaphore(%run_scoped3A : memref<!tpu.dma_semaphore, #tpu.memory_space<semaphore_mem>>)
        %dma_wait3A = arith.constant 9360 : i32
        %dma_wait3A_362 = arith.constant 0 : i32
        %dma_wait3A_363 = tpu.memref_slice %arg9[%dma_wait3A, %dma_wait3A_362] : memref<10000x64xf32, #tpu.memory_space<vmem_shared>> -> memref<640x64xf32, #tpu.memory_space<vmem_shared>>
        %dma_wait3A_364 = arith.constant 9360 : i32
        %dma_wait3A_365 = arith.constant 0 : i32
        %dma_wait3A_366 = tpu.memref_slice %arg5[%dma_wait3A_364, %dma_wait3A_365] : memref<10000x64xf32, #tpu.memory_space<hbm>> -> memref<640x64xf32, #tpu.memory_space<hbm>>
        tpu.wait_dma2 semaphore(%run_scoped3A : memref<!tpu.dma_semaphore, #tpu.memory_space<semaphore_mem>>) src(%dma_wait3A_366 : memref<640x64xf32, #tpu.memory_space<hbm>>) dst(%dma_wait3A_363 : memref<640x64xf32, #tpu.memory_space<vmem_shared>>)
        tpu.yield
      }) : () -> ()
    } else {
    }
    %broadcast_in_dim3A = arith.constant 0.000000e+00 : f32
    %broadcast_in_dim3A_16 = vector.broadcast %broadcast_in_dim3A : f32 to vector<16xf32>
    %swap3A = arith.constant 0 : index
    %swap3A_17 = tpu.vector_load %arg15[%swap3A] {strides = array<i32>} : memref<640xf32, #tpu.memory_space<vmem>>, vector<16xf32>,
    %swap3A_18 = vector.shape_cast %swap3A_17 : vector<16xf32> to vector<16xf32>
    %swap3A_19 = vector.shape_cast %broadcast_in_dim3A_16 : vector<16xf32> to vector<16xf32>
    tpu.vector_store %arg15[%swap3A], %swap3A_19 {strides = array<i32>} : memref<640xf32, #tpu.memory_space<vmem>>, vector<16xf32>,
    %broadcast_in_dim3A_20 = arith.constant 0.000000e+00 : f32
    %broadcast_in_dim3A_21 = vector.broadcast %broadcast_in_dim3A_20 : f32 to vector<16xf32>
    %swap3A_22 = arith.constant 16 : index
    %swap3A_23 = tpu.vector_load %arg15[%swap3A_22] {strides = array<i32>} : memref<640xf32, #tpu.memory_space<vmem>>, vector<16xf32>,
    %swap3A_24 = vector.shape_cast %swap3A_23 : vector<16xf32> to vector<16xf32>
    %swap3A_25 = vector.shape_cast %broadcast_in_dim3A_21 : vector<16xf32> to vector<16xf32>
    tpu.vector_store %arg15[%swap3A_22], %swap3A_25 {strides = array<i32>} : memref<640xf32, #tpu.memory_space<vmem>>, vector<16xf32>,
    %broadcast_in_dim3A_26 = arith.constant 0.000000e+00 : f32
    %broadcast_in_dim3A_27 = vector.broadcast %broadcast_in_dim3A_26 : f32 to vector<16xf32>
    %swap3A_28 = arith.constant 32 : index
    %swap3A_29 = tpu.vector_load %arg15[%swap3A_28] {strides = array<i32>} : memref<640xf32, #tpu.memory_space<vmem>>, vector<16xf32>,
    %swap3A_30 = vector.shape_cast %swap3A_29 : vector<16xf32> to vector<16xf32>
    %swap3A_31 = vector.shape_cast %broadcast_in_dim3A_27 : vector<16xf32> to vector<16xf32>
    tpu.vector_store %arg15[%swap3A_28], %swap3A_31 {strides = array<i32>} : memref<640xf32, #tpu.memory_space<vmem>>, vector<16xf32>,
    %broadcast_in_dim3A_32 = arith.constant 0.000000e+00 : f32
    %broadcast_in_dim3A_33 = vector.broadcast %broadcast_in_dim3A_32 : f32 to vector<16xf32>
    %swap3A_34 = arith.constant 48 : index
    %swap3A_35 = tpu.vector_load %arg15[%swap3A_34] {strides = array<i32>} : memref<640xf32, #tpu.memory_space<vmem>>, vector<16xf32>,
    %swap3A_36 = vector.shape_cast %swap3A_35 : vector<16xf32> to vector<16xf32>
    %swap3A_37 = vector.shape_cast %broadcast_in_dim3A_33 : vector<16xf32> to vector<16xf32>
    tpu.vector_store %arg15[%swap3A_34], %swap3A_37 {strides = array<i32>} : memref<640xf32, #tpu.memory_space<vmem>>, vector<16xf32>,
    %broadcast_in_dim3A_38 = arith.constant 0.000000e+00 : f32
    %broadcast_in_dim3A_39 = vector.broadcast %broadcast_in_dim3A_38 : f32 to vector<16xf32>
    %swap3A_40 = arith.constant 64 : index
    %swap3A_41 = tpu.vector_load %arg15[%swap3A_40] {strides = array<i32>} : memref<640xf32, #tpu.memory_space<vmem>>, vector<16xf32>,
    %swap3A_42 = vector.shape_cast %swap3A_41 : vector<16xf32> to vector<16xf32>
    %swap3A_43 = vector.shape_cast %broadcast_in_dim3A_39 : vector<16xf32> to vector<16xf32>
    tpu.vector_store %arg15[%swap3A_40], %swap3A_43 {strides = array<i32>} : memref<640xf32, #tpu.memory_space<vmem>>, vector<16xf32>,
    %broadcast_in_dim3A_44 = arith.constant 0.000000e+00 : f32
    %broadcast_in_dim3A_45 = vector.broadcast %broadcast_in_dim3A_44 : f32 to vector<16xf32>
    %swap3A_46 = arith.constant 80 : index
    %swap3A_47 = tpu.vector_load %arg15[%swap3A_46] {strides = array<i32>} : memref<640xf32, #tpu.memory_space<vmem>>, vector<16xf32>,
    %swap3A_48 = vector.shape_cast %swap3A_47 : vector<16xf32> to vector<16xf32>
    %swap3A_49 = vector.shape_cast %broadcast_in_dim3A_45 : vector<16xf32> to vector<16xf32>
    tpu.vector_store %arg15[%swap3A_46], %swap3A_49 {strides = array<i32>} : memref<640xf32, #tpu.memory_space<vmem>>, vector<16xf32>,
    %broadcast_in_dim3A_50 = arith.constant 0.000000e+00 : f32
    %broadcast_in_dim3A_51 = vector.broadcast %broadcast_in_dim3A_50 : f32 to vector<16xf32>
    %swap3A_52 = arith.constant 96 : index
    %swap3A_53 = tpu.vector_load %arg15[%swap3A_52] {strides = array<i32>} : memref<640xf32, #tpu.memory_space<vmem>>, vector<16xf32>,
    %swap3A_54 = vector.shape_cast %swap3A_53 : vector<16xf32> to vector<16xf32>
    %swap3A_55 = vector.shape_cast %broadcast_in_dim3A_51 : vector<16xf32> to vector<16xf32>
    tpu.vector_store %arg15[%swap3A_52], %swap3A_55 {strides = array<i32>} : memref<640xf32, #tpu.memory_space<vmem>>, vector<16xf32>,
    %broadcast_in_dim3A_56 = arith.constant 0.000000e+00 : f32
    %broadcast_in_dim3A_57 = vector.broadcast %broadcast_in_dim3A_56 : f32 to vector<16xf32>
    %swap3A_58 = arith.constant 112 : index
    %swap3A_59 = tpu.vector_load %arg15[%swap3A_58] {strides = array<i32>} : memref<640xf32, #tpu.memory_space<vmem>>, vector<16xf32>,
    %swap3A_60 = vector.shape_cast %swap3A_59 : vector<16xf32> to vector<16xf32>
    %swap3A_61 = vector.shape_cast %broadcast_in_dim3A_57 : vector<16xf32> to vector<16xf32>
    tpu.vector_store %arg15[%swap3A_58], %swap3A_61 {strides = array<i32>} : memref<640xf32, #tpu.memory_space<vmem>>, vector<16xf32>,
    %broadcast_in_dim3A_62 = arith.constant 0.000000e+00 : f32
    %broadcast_in_dim3A_63 = vector.broadcast %broadcast_in_dim3A_62 : f32 to vector<16xf32>
    %swap3A_64 = arith.constant 128 : index
    %swap3A_65 = tpu.vector_load %arg15[%swap3A_64] {strides = array<i32>} : memref<640xf32, #tpu.memory_space<vmem>>, vector<16xf32>,
    %swap3A_66 = vector.shape_cast %swap3A_65 : vector<16xf32> to vector<16xf32>
    %swap3A_67 = vector.shape_cast %broadcast_in_dim3A_63 : vector<16xf32> to vector<16xf32>
    tpu.vector_store %arg15[%swap3A_64], %swap3A_67 {strides = array<i32>} : memref<640xf32, #tpu.memory_space<vmem>>, vector<16xf32>,
    %broadcast_in_dim3A_68 = arith.constant 0.000000e+00 : f32
    %broadcast_in_dim3A_69 = vector.broadcast %broadcast_in_dim3A_68 : f32 to vector<16xf32>
    %swap3A_70 = arith.constant 144 : index
    %swap3A_71 = tpu.vector_load %arg15[%swap3A_70] {strides = array<i32>} : memref<640xf32, #tpu.memory_space<vmem>>, vector<16xf32>,
    %swap3A_72 = vector.shape_cast %swap3A_71 : vector<16xf32> to vector<16xf32>
    %swap3A_73 = vector.shape_cast %broadcast_in_dim3A_69 : vector<16xf32> to vector<16xf32>
    tpu.vector_store %arg15[%swap3A_70], %swap3A_73 {strides = array<i32>} : memref<640xf32, #tpu.memory_space<vmem>>, vector<16xf32>,
    %broadcast_in_dim3A_74 = arith.constant 0.000000e+00 : f32
    %broadcast_in_dim3A_75 = vector.broadcast %broadcast_in_dim3A_74 : f32 to vector<16xf32>
    %swap3A_76 = arith.constant 160 : index
    %swap3A_77 = tpu.vector_load %arg15[%swap3A_76] {strides = array<i32>} : memref<640xf32, #tpu.memory_space<vmem>>, vector<16xf32>,
    %swap3A_78 = vector.shape_cast %swap3A_77 : vector<16xf32> to vector<16xf32>
    %swap3A_79 = vector.shape_cast %broadcast_in_dim3A_75 : vector<16xf32> to vector<16xf32>
    tpu.vector_store %arg15[%swap3A_76], %swap3A_79 {strides = array<i32>} : memref<640xf32, #tpu.memory_space<vmem>>, vector<16xf32>,
    %broadcast_in_dim3A_80 = arith.constant 0.000000e+00 : f32
    %broadcast_in_dim3A_81 = vector.broadcast %broadcast_in_dim3A_80 : f32 to vector<16xf32>
    %swap3A_82 = arith.constant 176 : index
    %swap3A_83 = tpu.vector_load %arg15[%swap3A_82] {strides = array<i32>} : memref<640xf32, #tpu.memory_space<vmem>>, vector<16xf32>,
    %swap3A_84 = vector.shape_cast %swap3A_83 : vector<16xf32> to vector<16xf32>
    %swap3A_85 = vector.shape_cast %broadcast_in_dim3A_81 : vector<16xf32> to vector<16xf32>
    tpu.vector_store %arg15[%swap3A_82], %swap3A_85 {strides = array<i32>} : memref<640xf32, #tpu.memory_space<vmem>>, vector<16xf32>,
    %broadcast_in_dim3A_86 = arith.constant 0.000000e+00 : f32
    %broadcast_in_dim3A_87 = vector.broadcast %broadcast_in_dim3A_86 : f32 to vector<16xf32>
    %swap3A_88 = arith.constant 192 : index
    %swap3A_89 = tpu.vector_load %arg15[%swap3A_88] {strides = array<i32>} : memref<640xf32, #tpu.memory_space<vmem>>, vector<16xf32>,
    %swap3A_90 = vector.shape_cast %swap3A_89 : vector<16xf32> to vector<16xf32>
    %swap3A_91 = vector.shape_cast %broadcast_in_dim3A_87 : vector<16xf32> to vector<16xf32>
    tpu.vector_store %arg15[%swap3A_88], %swap3A_91 {strides = array<i32>} : memref<640xf32, #tpu.memory_space<vmem>>, vector<16xf32>,
    %broadcast_in_dim3A_92 = arith.constant 0.000000e+00 : f32
    %broadcast_in_dim3A_93 = vector.broadcast %broadcast_in_dim3A_92 : f32 to vector<16xf32>
    %swap3A_94 = arith.constant 208 : index
    %swap3A_95 = tpu.vector_load %arg15[%swap3A_94] {strides = array<i32>} : memref<640xf32, #tpu.memory_space<vmem>>, vector<16xf32>,
    %swap3A_96 = vector.shape_cast %swap3A_95 : vector<16xf32> to vector<16xf32>
    %swap3A_97 = vector.shape_cast %broadcast_in_dim3A_93 : vector<16xf32> to vector<16xf32>
    tpu.vector_store %arg15[%swap3A_94], %swap3A_97 {strides = array<i32>} : memref<640xf32, #tpu.memory_space<vmem>>, vector<16xf32>,
    %broadcast_in_dim3A_98 = arith.constant 0.000000e+00 : f32
    %broadcast_in_dim3A_99 = vector.broadcast %broadcast_in_dim3A_98 : f32 to vector<16xf32>
    %swap3A_100 = arith.constant 224 : index
    %swap3A_101 = tpu.vector_load %arg15[%swap3A_100] {strides = array<i32>} : memref<640xf32, #tpu.memory_space<vmem>>, vector<16xf32>,
    %swap3A_102 = vector.shape_cast %swap3A_101 : vector<16xf32> to vector<16xf32>
    %swap3A_103 = vector.shape_cast %broadcast_in_dim3A_99 : vector<16xf32> to vector<16xf32>
    tpu.vector_store %arg15[%swap3A_100], %swap3A_103 {strides = array<i32>} : memref<640xf32, #tpu.memory_space<vmem>>, vector<16xf32>,
    %broadcast_in_dim3A_104 = arith.constant 0.000000e+00 : f32
    %broadcast_in_dim3A_105 = vector.broadcast %broadcast_in_dim3A_104 : f32 to vector<16xf32>
    %swap3A_106 = arith.constant 240 : index
    %swap3A_107 = tpu.vector_load %arg15[%swap3A_106] {strides = array<i32>} : memref<640xf32, #tpu.memory_space<vmem>>, vector<16xf32>,
    %swap3A_108 = vector.shape_cast %swap3A_107 : vector<16xf32> to vector<16xf32>
    %swap3A_109 = vector.shape_cast %broadcast_in_dim3A_105 : vector<16xf32> to vector<16xf32>
    tpu.vector_store %arg15[%swap3A_106], %swap3A_109 {strides = array<i32>} : memref<640xf32, #tpu.memory_space<vmem>>, vector<16xf32>,
    %broadcast_in_dim3A_110 = arith.constant 0.000000e+00 : f32
    %broadcast_in_dim3A_111 = vector.broadcast %broadcast_in_dim3A_110 : f32 to vector<16xf32>
    %swap3A_112 = arith.constant 256 : index
    %swap3A_113 = tpu.vector_load %arg15[%swap3A_112] {strides = array<i32>} : memref<640xf32, #tpu.memory_space<vmem>>, vector<16xf32>,
    %swap3A_114 = vector.shape_cast %swap3A_113 : vector<16xf32> to vector<16xf32>
    %swap3A_115 = vector.shape_cast %broadcast_in_dim3A_111 : vector<16xf32> to vector<16xf32>
    tpu.vector_store %arg15[%swap3A_112], %swap3A_115 {strides = array<i32>} : memref<640xf32, #tpu.memory_space<vmem>>, vector<16xf32>,
    %broadcast_in_dim3A_116 = arith.constant 0.000000e+00 : f32
    %broadcast_in_dim3A_117 = vector.broadcast %broadcast_in_dim3A_116 : f32 to vector<16xf32>
    %swap3A_118 = arith.constant 272 : index
    %swap3A_119 = tpu.vector_load %arg15[%swap3A_118] {strides = array<i32>} : memref<640xf32, #tpu.memory_space<vmem>>, vector<16xf32>,
    %swap3A_120 = vector.shape_cast %swap3A_119 : vector<16xf32> to vector<16xf32>
    %swap3A_121 = vector.shape_cast %broadcast_in_dim3A_117 : vector<16xf32> to vector<16xf32>
    tpu.vector_store %arg15[%swap3A_118], %swap3A_121 {strides = array<i32>} : memref<640xf32, #tpu.memory_space<vmem>>, vector<16xf32>,
    %broadcast_in_dim3A_122 = arith.constant 0.000000e+00 : f32
    %broadcast_in_dim3A_123 = vector.broadcast %broadcast_in_dim3A_122 : f32 to vector<16xf32>
    %swap3A_124 = arith.constant 288 : index
    %swap3A_125 = tpu.vector_load %arg15[%swap3A_124] {strides = array<i32>} : memref<640xf32, #tpu.memory_space<vmem>>, vector<16xf32>,
    %swap3A_126 = vector.shape_cast %swap3A_125 : vector<16xf32> to vector<16xf32>
    %swap3A_127 = vector.shape_cast %broadcast_in_dim3A_123 : vector<16xf32> to vector<16xf32>
    tpu.vector_store %arg15[%swap3A_124], %swap3A_127 {strides = array<i32>} : memref<640xf32, #tpu.memory_space<vmem>>, vector<16xf32>,
    %broadcast_in_dim3A_128 = arith.constant 0.000000e+00 : f32
    %broadcast_in_dim3A_129 = vector.broadcast %broadcast_in_dim3A_128 : f32 to vector<16xf32>
    %swap3A_130 = arith.constant 304 : index
    %swap3A_131 = tpu.vector_load %arg15[%swap3A_130] {strides = array<i32>} : memref<640xf32, #tpu.memory_space<vmem>>, vector<16xf32>,
    %swap3A_132 = vector.shape_cast %swap3A_131 : vector<16xf32> to vector<16xf32>
    %swap3A_133 = vector.shape_cast %broadcast_in_dim3A_129 : vector<16xf32> to vector<16xf32>
    tpu.vector_store %arg15[%swap3A_130], %swap3A_133 {strides = array<i32>} : memref<640xf32, #tpu.memory_space<vmem>>, vector<16xf32>,
    %broadcast_in_dim3A_134 = arith.constant 0.000000e+00 : f32
    %broadcast_in_dim3A_135 = vector.broadcast %broadcast_in_dim3A_134 : f32 to vector<16xf32>
    %swap3A_136 = arith.constant 320 : index
    %swap3A_137 = tpu.vector_load %arg15[%swap3A_136] {strides = array<i32>} : memref<640xf32, #tpu.memory_space<vmem>>, vector<16xf32>,
    %swap3A_138 = vector.shape_cast %swap3A_137 : vector<16xf32> to vector<16xf32>
    %swap3A_139 = vector.shape_cast %broadcast_in_dim3A_135 : vector<16xf32> to vector<16xf32>
    tpu.vector_store %arg15[%swap3A_136], %swap3A_139 {strides = array<i32>} : memref<640xf32, #tpu.memory_space<vmem>>, vector<16xf32>,
    %broadcast_in_dim3A_140 = arith.constant 0.000000e+00 : f32
    %broadcast_in_dim3A_141 = vector.broadcast %broadcast_in_dim3A_140 : f32 to vector<16xf32>
    %swap3A_142 = arith.constant 336 : index
    %swap3A_143 = tpu.vector_load %arg15[%swap3A_142] {strides = array<i32>} : memref<640xf32, #tpu.memory_space<vmem>>, vector<16xf32>,
    %swap3A_144 = vector.shape_cast %swap3A_143 : vector<16xf32> to vector<16xf32>
    %swap3A_145 = vector.shape_cast %broadcast_in_dim3A_141 : vector<16xf32> to vector<16xf32>
    tpu.vector_store %arg15[%swap3A_142], %swap3A_145 {strides = array<i32>} : memref<640xf32, #tpu.memory_space<vmem>>, vector<16xf32>,
    %broadcast_in_dim3A_146 = arith.constant 0.000000e+00 : f32
    %broadcast_in_dim3A_147 = vector.broadcast %broadcast_in_dim3A_146 : f32 to vector<16xf32>
    %swap3A_148 = arith.constant 352 : index
    %swap3A_149 = tpu.vector_load %arg15[%swap3A_148] {strides = array<i32>} : memref<640xf32, #tpu.memory_space<vmem>>, vector<16xf32>,
    %swap3A_150 = vector.shape_cast %swap3A_149 : vector<16xf32> to vector<16xf32>
    %swap3A_151 = vector.shape_cast %broadcast_in_dim3A_147 : vector<16xf32> to vector<16xf32>
    tpu.vector_store %arg15[%swap3A_148], %swap3A_151 {strides = array<i32>} : memref<640xf32, #tpu.memory_space<vmem>>, vector<16xf32>,
    %broadcast_in_dim3A_152 = arith.constant 0.000000e+00 : f32
    %broadcast_in_dim3A_153 = vector.broadcast %broadcast_in_dim3A_152 : f32 to vector<16xf32>
    %swap3A_154 = arith.constant 368 : index
    %swap3A_155 = tpu.vector_load %arg15[%swap3A_154] {strides = array<i32>} : memref<640xf32, #tpu.memory_space<vmem>>, vector<16xf32>,
    %swap3A_156 = vector.shape_cast %swap3A_155 : vector<16xf32> to vector<16xf32>
    %swap3A_157 = vector.shape_cast %broadcast_in_dim3A_153 : vector<16xf32> to vector<16xf32>
    tpu.vector_store %arg15[%swap3A_154], %swap3A_157 {strides = array<i32>} : memref<640xf32, #tpu.memory_space<vmem>>, vector<16xf32>,
    %broadcast_in_dim3A_158 = arith.constant 0.000000e+00 : f32
    %broadcast_in_dim3A_159 = vector.broadcast %broadcast_in_dim3A_158 : f32 to vector<16xf32>
    %swap3A_160 = arith.constant 384 : index
    %swap3A_161 = tpu.vector_load %arg15[%swap3A_160] {strides = array<i32>} : memref<640xf32, #tpu.memory_space<vmem>>, vector<16xf32>,
    %swap3A_162 = vector.shape_cast %swap3A_161 : vector<16xf32> to vector<16xf32>
    %swap3A_163 = vector.shape_cast %broadcast_in_dim3A_159 : vector<16xf32> to vector<16xf32>
    tpu.vector_store %arg15[%swap3A_160], %swap3A_163 {strides = array<i32>} : memref<640xf32, #tpu.memory_space<vmem>>, vector<16xf32>,
    %broadcast_in_dim3A_164 = arith.constant 0.000000e+00 : f32
    %broadcast_in_dim3A_165 = vector.broadcast %broadcast_in_dim3A_164 : f32 to vector<16xf32>
    %swap3A_166 = arith.constant 400 : index
    %swap3A_167 = tpu.vector_load %arg15[%swap3A_166] {strides = array<i32>} : memref<640xf32, #tpu.memory_space<vmem>>, vector<16xf32>,
    %swap3A_168 = vector.shape_cast %swap3A_167 : vector<16xf32> to vector<16xf32>
    %swap3A_169 = vector.shape_cast %broadcast_in_dim3A_165 : vector<16xf32> to vector<16xf32>
    tpu.vector_store %arg15[%swap3A_166], %swap3A_169 {strides = array<i32>} : memref<640xf32, #tpu.memory_space<vmem>>, vector<16xf32>,
    %broadcast_in_dim3A_170 = arith.constant 0.000000e+00 : f32
    %broadcast_in_dim3A_171 = vector.broadcast %broadcast_in_dim3A_170 : f32 to vector<16xf32>
    %swap3A_172 = arith.constant 416 : index
    %swap3A_173 = tpu.vector_load %arg15[%swap3A_172] {strides = array<i32>} : memref<640xf32, #tpu.memory_space<vmem>>, vector<16xf32>,
    %swap3A_174 = vector.shape_cast %swap3A_173 : vector<16xf32> to vector<16xf32>
    %swap3A_175 = vector.shape_cast %broadcast_in_dim3A_171 : vector<16xf32> to vector<16xf32>
    tpu.vector_store %arg15[%swap3A_172], %swap3A_175 {strides = array<i32>} : memref<640xf32, #tpu.memory_space<vmem>>, vector<16xf32>,
    %broadcast_in_dim3A_176 = arith.constant 0.000000e+00 : f32
    %broadcast_in_dim3A_177 = vector.broadcast %broadcast_in_dim3A_176 : f32 to vector<16xf32>
    %swap3A_178 = arith.constant 432 : index
    %swap3A_179 = tpu.vector_load %arg15[%swap3A_178] {strides = array<i32>} : memref<640xf32, #tpu.memory_space<vmem>>, vector<16xf32>,
    %swap3A_180 = vector.shape_cast %swap3A_179 : vector<16xf32> to vector<16xf32>
    %swap3A_181 = vector.shape_cast %broadcast_in_dim3A_177 : vector<16xf32> to vector<16xf32>
    tpu.vector_store %arg15[%swap3A_178], %swap3A_181 {strides = array<i32>} : memref<640xf32, #tpu.memory_space<vmem>>, vector<16xf32>,
    %broadcast_in_dim3A_182 = arith.constant 0.000000e+00 : f32
    %broadcast_in_dim3A_183 = vector.broadcast %broadcast_in_dim3A_182 : f32 to vector<16xf32>
    %swap3A_184 = arith.constant 448 : index
    %swap3A_185 = tpu.vector_load %arg15[%swap3A_184] {strides = array<i32>} : memref<640xf32, #tpu.memory_space<vmem>>, vector<16xf32>,
    %swap3A_186 = vector.shape_cast %swap3A_185 : vector<16xf32> to vector<16xf32>
    %swap3A_187 = vector.shape_cast %broadcast_in_dim3A_183 : vector<16xf32> to vector<16xf32>
    tpu.vector_store %arg15[%swap3A_184], %swap3A_187 {strides = array<i32>} : memref<640xf32, #tpu.memory_space<vmem>>, vector<16xf32>,
    %broadcast_in_dim3A_188 = arith.constant 0.000000e+00 : f32
    %broadcast_in_dim3A_189 = vector.broadcast %broadcast_in_dim3A_188 : f32 to vector<16xf32>
    %swap3A_190 = arith.constant 464 : index
    %swap3A_191 = tpu.vector_load %arg15[%swap3A_190] {strides = array<i32>} : memref<640xf32, #tpu.memory_space<vmem>>, vector<16xf32>,
    %swap3A_192 = vector.shape_cast %swap3A_191 : vector<16xf32> to vector<16xf32>
    %swap3A_193 = vector.shape_cast %broadcast_in_dim3A_189 : vector<16xf32> to vector<16xf32>
    tpu.vector_store %arg15[%swap3A_190], %swap3A_193 {strides = array<i32>} : memref<640xf32, #tpu.memory_space<vmem>>, vector<16xf32>,
    %broadcast_in_dim3A_194 = arith.constant 0.000000e+00 : f32
    %broadcast_in_dim3A_195 = vector.broadcast %broadcast_in_dim3A_194 : f32 to vector<16xf32>
    %swap3A_196 = arith.constant 480 : index
    %swap3A_197 = tpu.vector_load %arg15[%swap3A_196] {strides = array<i32>} : memref<640xf32, #tpu.memory_space<vmem>>, vector<16xf32>,
    %swap3A_198 = vector.shape_cast %swap3A_197 : vector<16xf32> to vector<16xf32>
    %swap3A_199 = vector.shape_cast %broadcast_in_dim3A_195 : vector<16xf32> to vector<16xf32>
    tpu.vector_store %arg15[%swap3A_196], %swap3A_199 {strides = array<i32>} : memref<640xf32, #tpu.memory_space<vmem>>, vector<16xf32>,
    %broadcast_in_dim3A_200 = arith.constant 0.000000e+00 : f32
    %broadcast_in_dim3A_201 = vector.broadcast %broadcast_in_dim3A_200 : f32 to vector<16xf32>
    %swap3A_202 = arith.constant 496 : index
    %swap3A_203 = tpu.vector_load %arg15[%swap3A_202] {strides = array<i32>} : memref<640xf32, #tpu.memory_space<vmem>>, vector<16xf32>,
    %swap3A_204 = vector.shape_cast %swap3A_203 : vector<16xf32> to vector<16xf32>
    %swap3A_205 = vector.shape_cast %broadcast_in_dim3A_201 : vector<16xf32> to vector<16xf32>
    tpu.vector_store %arg15[%swap3A_202], %swap3A_205 {strides = array<i32>} : memref<640xf32, #tpu.memory_space<vmem>>, vector<16xf32>,
    %broadcast_in_dim3A_206 = arith.constant 0.000000e+00 : f32
    %broadcast_in_dim3A_207 = vector.broadcast %broadcast_in_dim3A_206 : f32 to vector<16xf32>
    %swap3A_208 = arith.constant 512 : index
    %swap3A_209 = tpu.vector_load %arg15[%swap3A_208] {strides = array<i32>} : memref<640xf32, #tpu.memory_space<vmem>>, vector<16xf32>,
    %swap3A_210 = vector.shape_cast %swap3A_209 : vector<16xf32> to vector<16xf32>
    %swap3A_211 = vector.shape_cast %broadcast_in_dim3A_207 : vector<16xf32> to vector<16xf32>
    tpu.vector_store %arg15[%swap3A_208], %swap3A_211 {strides = array<i32>} : memref<640xf32, #tpu.memory_space<vmem>>, vector<16xf32>,
    %broadcast_in_dim3A_212 = arith.constant 0.000000e+00 : f32
    %broadcast_in_dim3A_213 = vector.broadcast %broadcast_in_dim3A_212 : f32 to vector<16xf32>
    %swap3A_214 = arith.constant 528 : index
    %swap3A_215 = tpu.vector_load %arg15[%swap3A_214] {strides = array<i32>} : memref<640xf32, #tpu.memory_space<vmem>>, vector<16xf32>,
    %swap3A_216 = vector.shape_cast %swap3A_215 : vector<16xf32> to vector<16xf32>
    %swap3A_217 = vector.shape_cast %broadcast_in_dim3A_213 : vector<16xf32> to vector<16xf32>
    tpu.vector_store %arg15[%swap3A_214], %swap3A_217 {strides = array<i32>} : memref<640xf32, #tpu.memory_space<vmem>>, vector<16xf32>,
    %broadcast_in_dim3A_218 = arith.constant 0.000000e+00 : f32
    %broadcast_in_dim3A_219 = vector.broadcast %broadcast_in_dim3A_218 : f32 to vector<16xf32>
    %swap3A_220 = arith.constant 544 : index
    %swap3A_221 = tpu.vector_load %arg15[%swap3A_220] {strides = array<i32>} : memref<640xf32, #tpu.memory_space<vmem>>, vector<16xf32>,
    %swap3A_222 = vector.shape_cast %swap3A_221 : vector<16xf32> to vector<16xf32>
    %swap3A_223 = vector.shape_cast %broadcast_in_dim3A_219 : vector<16xf32> to vector<16xf32>
    tpu.vector_store %arg15[%swap3A_220], %swap3A_223 {strides = array<i32>} : memref<640xf32, #tpu.memory_space<vmem>>, vector<16xf32>,
    %broadcast_in_dim3A_224 = arith.constant 0.000000e+00 : f32
    %broadcast_in_dim3A_225 = vector.broadcast %broadcast_in_dim3A_224 : f32 to vector<16xf32>
    %swap3A_226 = arith.constant 560 : index
    %swap3A_227 = tpu.vector_load %arg15[%swap3A_226] {strides = array<i32>} : memref<640xf32, #tpu.memory_space<vmem>>, vector<16xf32>,
    %swap3A_228 = vector.shape_cast %swap3A_227 : vector<16xf32> to vector<16xf32>
    %swap3A_229 = vector.shape_cast %broadcast_in_dim3A_225 : vector<16xf32> to vector<16xf32>
    tpu.vector_store %arg15[%swap3A_226], %swap3A_229 {strides = array<i32>} : memref<640xf32, #tpu.memory_space<vmem>>, vector<16xf32>,
    %broadcast_in_dim3A_230 = arith.constant 0.000000e+00 : f32
    %broadcast_in_dim3A_231 = vector.broadcast %broadcast_in_dim3A_230 : f32 to vector<16xf32>
    %swap3A_232 = arith.constant 576 : index
    %swap3A_233 = tpu.vector_load %arg15[%swap3A_232] {strides = array<i32>} : memref<640xf32, #tpu.memory_space<vmem>>, vector<16xf32>,
    %swap3A_234 = vector.shape_cast %swap3A_233 : vector<16xf32> to vector<16xf32>
    %swap3A_235 = vector.shape_cast %broadcast_in_dim3A_231 : vector<16xf32> to vector<16xf32>
    tpu.vector_store %arg15[%swap3A_232], %swap3A_235 {strides = array<i32>} : memref<640xf32, #tpu.memory_space<vmem>>, vector<16xf32>,
    %broadcast_in_dim3A_236 = arith.constant 0.000000e+00 : f32
    %broadcast_in_dim3A_237 = vector.broadcast %broadcast_in_dim3A_236 : f32 to vector<16xf32>
    %swap3A_238 = arith.constant 592 : index
    %swap3A_239 = tpu.vector_load %arg15[%swap3A_238] {strides = array<i32>} : memref<640xf32, #tpu.memory_space<vmem>>, vector<16xf32>,
    %swap3A_240 = vector.shape_cast %swap3A_239 : vector<16xf32> to vector<16xf32>
    %swap3A_241 = vector.shape_cast %broadcast_in_dim3A_237 : vector<16xf32> to vector<16xf32>
    tpu.vector_store %arg15[%swap3A_238], %swap3A_241 {strides = array<i32>} : memref<640xf32, #tpu.memory_space<vmem>>, vector<16xf32>,
    %broadcast_in_dim3A_242 = arith.constant 0.000000e+00 : f32
    %broadcast_in_dim3A_243 = vector.broadcast %broadcast_in_dim3A_242 : f32 to vector<16xf32>
    %swap3A_244 = arith.constant 608 : index
    %swap3A_245 = tpu.vector_load %arg15[%swap3A_244] {strides = array<i32>} : memref<640xf32, #tpu.memory_space<vmem>>, vector<16xf32>,
    %swap3A_246 = vector.shape_cast %swap3A_245 : vector<16xf32> to vector<16xf32>
    %swap3A_247 = vector.shape_cast %broadcast_in_dim3A_243 : vector<16xf32> to vector<16xf32>
    tpu.vector_store %arg15[%swap3A_244], %swap3A_247 {strides = array<i32>} : memref<640xf32, #tpu.memory_space<vmem>>, vector<16xf32>,
    %broadcast_in_dim3A_248 = arith.constant 0.000000e+00 : f32
    %broadcast_in_dim3A_249 = vector.broadcast %broadcast_in_dim3A_248 : f32 to vector<16xf32>
    %swap3A_250 = arith.constant 624 : index
    %swap3A_251 = tpu.vector_load %arg15[%swap3A_250] {strides = array<i32>} : memref<640xf32, #tpu.memory_space<vmem>>, vector<16xf32>,
    %swap3A_252 = vector.shape_cast %swap3A_251 : vector<16xf32> to vector<16xf32>
    %swap3A_253 = vector.shape_cast %broadcast_in_dim3A_249 : vector<16xf32> to vector<16xf32>
    tpu.vector_store %arg15[%swap3A_250], %swap3A_253 {strides = array<i32>} : memref<640xf32, #tpu.memory_space<vmem>>, vector<16xf32>,
    %eq3A_254 = arith.constant 0 : i32
    %eq3A_255 = arith.cmpi eq, %arg0, %eq3A_254 : i32
    %lt3A_256 = arith.constant 15 : i32
    %lt3A_257 = arith.cmpi slt, %arg1, %lt3A_256 : i32
    %and3A = arith.andi %eq3A_255, %lt3A_257 : i1
    %convert_element_type3A_258 = arith.extui %and3A : i1 to i32
    %cond3A_259 = arith.constant 0 : i32
    %cond3A_260 = arith.cmpi ne, %convert_element_type3A_258, %cond3A_259 : i32
    scf.if %cond3A_260 {
      %mul3A_357 = arith.constant 640 : i32
      %mul3A_358 = arith.muli %arg1, %mul3A_357 : i32
      "tpu.region"() ({
        %run_scoped3A = tpu.sem_alloc : memref<!tpu.dma_semaphore, #tpu.memory_space<semaphore_mem>>
        %dma_start3A = tpu.memref_slice %arg13[%mul3A_358] : memref<10000xf32, #tpu.memory_space<vmem_shared>> -> memref<640xf32, #tpu.memory_space<vmem_shared>>
        %dma_start3A_359 = tpu.memref_slice %arg13[%mul3A_358] : memref<10000xf32, #tpu.memory_space<vmem_shared>> -> memref<640xf32, #tpu.memory_space<vmem_shared>>
        tpu.enqueue_dma source(%arg15 : memref<640xf32, #tpu.memory_space<vmem>>) target(%dma_start3A_359 : memref<640xf32, #tpu.memory_space<vmem_shared>>) target_semaphore(%run_scoped3A : memref<!tpu.dma_semaphore, #tpu.memory_space<semaphore_mem>>)
        %dma_wait3A = tpu.memref_slice %arg13[%mul3A_358] : memref<10000xf32, #tpu.memory_space<vmem_shared>> -> memref<640xf32, #tpu.memory_space<vmem_shared>>
        %dma_wait3A_360 = tpu.memref_slice %arg13[%mul3A_358] : memref<10000xf32, #tpu.memory_space<vmem_shared>> -> memref<640xf32, #tpu.memory_space<vmem_shared>>
        tpu.wait_dma2 semaphore(%run_scoped3A : memref<!tpu.dma_semaphore, #tpu.memory_space<semaphore_mem>>) src(%arg15 : memref<640xf32, #tpu.memory_space<vmem>>) dst(%dma_wait3A_360 : memref<640xf32, #tpu.memory_space<vmem_shared>>)
        tpu.yield
      }) : () -> ()
    } else {
    }
    %eq3A_261 = arith.constant 0 : i32
    %eq3A_262 = arith.cmpi eq, %arg0, %eq3A_261 : i32
    %eq3A_263 = arith.constant 15 : i32
    %eq3A_264 = arith.cmpi eq, %arg1, %eq3A_263 : i32
    %and3A_265 = arith.andi %eq3A_262, %eq3A_264 : i1
    %convert_element_type3A_266 = arith.extui %and3A_265 : i1 to i32
    %cond3A_267 = arith.constant 0 : i32
    %cond3A_268 = arith.cmpi ne, %convert_element_type3A_266, %cond3A_267 : i32
    scf.if %cond3A_268 {
      "tpu.region"() ({
        %run_scoped3A = tpu.sem_alloc : memref<!tpu.dma_semaphore, #tpu.memory_space<semaphore_mem>>
        %dma_start3A = arith.constant 0 : i32
        %dma_start3A_357 = tpu.memref_slice %arg15[%dma_start3A] : memref<640xf32, #tpu.memory_space<vmem>> -> memref<400xf32, #tpu.memory_space<vmem>>
        %dma_start3A_358 = arith.constant 9600 : i32
        %dma_start3A_359 = tpu.memref_slice %arg13[%dma_start3A_358] : memref<10000xf32, #tpu.memory_space<vmem_shared>> -> memref<400xf32, #tpu.memory_space<vmem_shared>>
        %dma_start3A_360 = arith.constant 9600 : i32
        %dma_start3A_361 = tpu.memref_slice %arg13[%dma_start3A_360] : memref<10000xf32, #tpu.memory_space<vmem_shared>> -> memref<400xf32, #tpu.memory_space<vmem_shared>>
        %dma_start3A_362 = arith.constant 0 : i32
        %dma_start3A_363 = tpu.memref_slice %arg15[%dma_start3A_362] : memref<640xf32, #tpu.memory_space<vmem>> -> memref<400xf32, #tpu.memory_space<vmem>>
        tpu.enqueue_dma source(%dma_start3A_363 : memref<400xf32, #tpu.memory_space<vmem>>) target(%dma_start3A_361 : memref<400xf32, #tpu.memory_space<vmem_shared>>) target_semaphore(%run_scoped3A : memref<!tpu.dma_semaphore, #tpu.memory_space<semaphore_mem>>)
        %dma_wait3A = arith.constant 0 : i32
        %dma_wait3A_364 = tpu.memref_slice %arg15[%dma_wait3A] : memref<640xf32, #tpu.memory_space<vmem>> -> memref<400xf32, #tpu.memory_space<vmem>>
        %dma_wait3A_365 = arith.constant 9600 : i32
        %dma_wait3A_366 = tpu.memref_slice %arg13[%dma_wait3A_365] : memref<10000xf32, #tpu.memory_space<vmem_shared>> -> memref<400xf32, #tpu.memory_space<vmem_shared>>
        %dma_wait3A_367 = arith.constant 9600 : i32
        %dma_wait3A_368 = tpu.memref_slice %arg13[%dma_wait3A_367] : memref<10000xf32, #tpu.memory_space<vmem_shared>> -> memref<400xf32, #tpu.memory_space<vmem_shared>>
        %dma_wait3A_369 = arith.constant 0 : i32
        %dma_wait3A_370 = tpu.memref_slice %arg15[%dma_wait3A_369] : memref<640xf32, #tpu.memory_space<vmem>> -> memref<400xf32, #tpu.memory_space<vmem>>
        tpu.wait_dma2 semaphore(%run_scoped3A : memref<!tpu.dma_semaphore, #tpu.memory_space<semaphore_mem>>) src(%dma_wait3A_370 : memref<400xf32, #tpu.memory_space<vmem>>) dst(%dma_wait3A_368 : memref<400xf32, #tpu.memory_space<vmem_shared>>)
        tpu.yield
      }) : () -> ()
    } else {
    }
    %broadcast_in_dim3A_269 = arith.constant 1.000000e+00 : f32
    %broadcast_in_dim3A_270 = vector.broadcast %broadcast_in_dim3A_269 : f32 to vector<16xf32>
    %swap3A_271 = arith.constant 0 : index
    %swap3A_272 = tpu.vector_load %arg14[%swap3A_271] {strides = array<i32>} : memref<128xf32, #tpu.memory_space<vmem>>, vector<16xf32>,
    %swap3A_273 = vector.shape_cast %swap3A_272 : vector<16xf32> to vector<16xf32>
    %swap3A_274 = vector.shape_cast %broadcast_in_dim3A_270 : vector<16xf32> to vector<16xf32>
    tpu.vector_store %arg14[%swap3A_271], %swap3A_274 {strides = array<i32>} : memref<128xf32, #tpu.memory_space<vmem>>, vector<16xf32>,
    %broadcast_in_dim3A_275 = arith.constant 1.000000e+00 : f32
    %broadcast_in_dim3A_276 = vector.broadcast %broadcast_in_dim3A_275 : f32 to vector<16xf32>
    %swap3A_277 = arith.constant 16 : index
    %swap3A_278 = tpu.vector_load %arg14[%swap3A_277] {strides = array<i32>} : memref<128xf32, #tpu.memory_space<vmem>>, vector<16xf32>,
    %swap3A_279 = vector.shape_cast %swap3A_278 : vector<16xf32> to vector<16xf32>
    %swap3A_280 = vector.shape_cast %broadcast_in_dim3A_276 : vector<16xf32> to vector<16xf32>
    tpu.vector_store %arg14[%swap3A_277], %swap3A_280 {strides = array<i32>} : memref<128xf32, #tpu.memory_space<vmem>>, vector<16xf32>,
    %broadcast_in_dim3A_281 = arith.constant 1.000000e+00 : f32
    %broadcast_in_dim3A_282 = vector.broadcast %broadcast_in_dim3A_281 : f32 to vector<16xf32>
    %swap3A_283 = arith.constant 32 : index
    %swap3A_284 = tpu.vector_load %arg14[%swap3A_283] {strides = array<i32>} : memref<128xf32, #tpu.memory_space<vmem>>, vector<16xf32>,
    %swap3A_285 = vector.shape_cast %swap3A_284 : vector<16xf32> to vector<16xf32>
    %swap3A_286 = vector.shape_cast %broadcast_in_dim3A_282 : vector<16xf32> to vector<16xf32>
    tpu.vector_store %arg14[%swap3A_283], %swap3A_286 {strides = array<i32>} : memref<128xf32, #tpu.memory_space<vmem>>, vector<16xf32>,
    %broadcast_in_dim3A_287 = arith.constant 1.000000e+00 : f32
    %broadcast_in_dim3A_288 = vector.broadcast %broadcast_in_dim3A_287 : f32 to vector<16xf32>
    %swap3A_289 = arith.constant 48 : index
    %swap3A_290 = tpu.vector_load %arg14[%swap3A_289] {strides = array<i32>} : memref<128xf32, #tpu.memory_space<vmem>>, vector<16xf32>,
    %swap3A_291 = vector.shape_cast %swap3A_290 : vector<16xf32> to vector<16xf32>
    %swap3A_292 = vector.shape_cast %broadcast_in_dim3A_288 : vector<16xf32> to vector<16xf32>
    tpu.vector_store %arg14[%swap3A_289], %swap3A_292 {strides = array<i32>} : memref<128xf32, #tpu.memory_space<vmem>>, vector<16xf32>,
    %broadcast_in_dim3A_293 = arith.constant 1.000000e+00 : f32
    %broadcast_in_dim3A_294 = vector.broadcast %broadcast_in_dim3A_293 : f32 to vector<16xf32>
    %swap3A_295 = arith.constant 64 : index
    %swap3A_296 = tpu.vector_load %arg14[%swap3A_295] {strides = array<i32>} : memref<128xf32, #tpu.memory_space<vmem>>, vector<16xf32>,
    %swap3A_297 = vector.shape_cast %swap3A_296 : vector<16xf32> to vector<16xf32>
    %swap3A_298 = vector.shape_cast %broadcast_in_dim3A_294 : vector<16xf32> to vector<16xf32>
    tpu.vector_store %arg14[%swap3A_295], %swap3A_298 {strides = array<i32>} : memref<128xf32, #tpu.memory_space<vmem>>, vector<16xf32>,
    %broadcast_in_dim3A_299 = arith.constant 1.000000e+00 : f32
    %broadcast_in_dim3A_300 = vector.broadcast %broadcast_in_dim3A_299 : f32 to vector<16xf32>
    %swap3A_301 = arith.constant 80 : index
    %swap3A_302 = tpu.vector_load %arg14[%swap3A_301] {strides = array<i32>} : memref<128xf32, #tpu.memory_space<vmem>>, vector<16xf32>,
    %swap3A_303 = vector.shape_cast %swap3A_302 : vector<16xf32> to vector<16xf32>
    %swap3A_304 = vector.shape_cast %broadcast_in_dim3A_300 : vector<16xf32> to vector<16xf32>
    tpu.vector_store %arg14[%swap3A_301], %swap3A_304 {strides = array<i32>} : memref<128xf32, #tpu.memory_space<vmem>>, vector<16xf32>,
    %broadcast_in_dim3A_305 = arith.constant 1.000000e+00 : f32
    %broadcast_in_dim3A_306 = vector.broadcast %broadcast_in_dim3A_305 : f32 to vector<16xf32>
    %swap3A_307 = arith.constant 96 : index
    %swap3A_308 = tpu.vector_load %arg14[%swap3A_307] {strides = array<i32>} : memref<128xf32, #tpu.memory_space<vmem>>, vector<16xf32>,
    %swap3A_309 = vector.shape_cast %swap3A_308 : vector<16xf32> to vector<16xf32>
    %swap3A_310 = vector.shape_cast %broadcast_in_dim3A_306 : vector<16xf32> to vector<16xf32>
    tpu.vector_store %arg14[%swap3A_307], %swap3A_310 {strides = array<i32>} : memref<128xf32, #tpu.memory_space<vmem>>, vector<16xf32>,
    %broadcast_in_dim3A_311 = arith.constant 1.000000e+00 : f32
    %broadcast_in_dim3A_312 = vector.broadcast %broadcast_in_dim3A_311 : f32 to vector<16xf32>
    %swap3A_313 = arith.constant 112 : index
    %swap3A_314 = tpu.vector_load %arg14[%swap3A_313] {strides = array<i32>} : memref<128xf32, #tpu.memory_space<vmem>>, vector<16xf32>,
    %swap3A_315 = vector.shape_cast %swap3A_314 : vector<16xf32> to vector<16xf32>
    %swap3A_316 = vector.shape_cast %broadcast_in_dim3A_312 : vector<16xf32> to vector<16xf32>
    tpu.vector_store %arg14[%swap3A_313], %swap3A_316 {strides = array<i32>} : memref<128xf32, #tpu.memory_space<vmem>>, vector<16xf32>,
    %barrier3A = arith.constant 0 : index
    tpu.barrier barrier_id(%barrier3A)
    %mul3A = arith.constant 19968 : i32
    %mul3A_317 = arith.muli %arg1, %mul3A : i32
    %eq3A_318 = arith.constant 15 : i32
    %eq3A_319 = arith.cmpi eq, %arg1, %eq3A_318 : i32
    %jit3A = arith.constant 160 : i32
    %jit3A_320 = arith.constant 156 : i32
    %select_n3A = arith.select %eq3A_319, %jit3A, %jit3A_320 : i32
    %while3A = arith.constant 0 : i32
    %while3A_321 = arith.constant 0 : i32
    %while3A_322 = arith.subi %select_n3A, %while3A_321 : i32
    %while3A_323 = arith.addi %while3A_321, %while3A_322 : i32
    %while3A_324 = arith.constant 1 : i32
    %while3A_325 = arith.divsi %while3A_322, %while3A_324 : i32
    %while3A_326 = arith.muli %while3A_325, %while3A_324 : i32
    %while3A_327 = arith.addi %while3A_321, %while3A_326 : i32
    %while3A_328 = arith.constant 1 : i32
    scf.for %while3A_357 = %while3A_321 to %while3A_327 step %while3A_328  : i32 {
      %mul3A_358 = arith.constant 128 : i32
      %mul3A_359 = arith.muli %while3A_357, %mul3A_358 : i32
      %add3A = arith.addi %mul3A_317, %mul3A_359 : i32
      "tpu.region"() ({
        %run_scoped3A = tpu.sem_alloc : memref<!tpu.dma_semaphore, #tpu.memory_space<semaphore_mem>>
        %dma_start3A = tpu.memref_slice %arg3[%add3A] : memref<320000xi32, #tpu.memory_space<hbm>> -> memref<128xi32, #tpu.memory_space<hbm>>
        %dma_start3A_365 = tpu.memref_slice %arg3[%add3A] : memref<320000xi32, #tpu.memory_space<hbm>> -> memref<128xi32, #tpu.memory_space<hbm>>
        tpu.enqueue_dma source(%dma_start3A_365 : memref<128xi32, #tpu.memory_space<hbm>>) target(%arg10 : memref<128xi32, #tpu.memory_space<vmem>>) target_semaphore(%run_scoped3A : memref<!tpu.dma_semaphore, #tpu.memory_space<semaphore_mem>>)
        %dma_wait3A = tpu.memref_slice %arg3[%add3A] : memref<320000xi32, #tpu.memory_space<hbm>> -> memref<128xi32, #tpu.memory_space<hbm>>
        %dma_wait3A_366 = tpu.memref_slice %arg3[%add3A] : memref<320000xi32, #tpu.memory_space<hbm>> -> memref<128xi32, #tpu.memory_space<hbm>>
        tpu.wait_dma2 semaphore(%run_scoped3A : memref<!tpu.dma_semaphore, #tpu.memory_space<semaphore_mem>>) src(%dma_wait3A_366 : memref<128xi32, #tpu.memory_space<hbm>>) dst(%arg10 : memref<128xi32, #tpu.memory_space<vmem>>)
        tpu.yield
      }) : () -> ()
      "tpu.region"() ({
        %run_scoped3A = tpu.sem_alloc : memref<!tpu.dma_semaphore, #tpu.memory_space<semaphore_mem>>
        %dma_start3A = tpu.memref_slice %arg4[%add3A] : memref<320000xi32, #tpu.memory_space<hbm>> -> memref<128xi32, #tpu.memory_space<hbm>>
        %dma_start3A_365 = tpu.memref_slice %arg4[%add3A] : memref<320000xi32, #tpu.memory_space<hbm>> -> memref<128xi32, #tpu.memory_space<hbm>>
        tpu.enqueue_dma source(%dma_start3A_365 : memref<128xi32, #tpu.memory_space<hbm>>) target(%arg11 : memref<128xi32, #tpu.memory_space<vmem>>) target_semaphore(%run_scoped3A : memref<!tpu.dma_semaphore, #tpu.memory_space<semaphore_mem>>)
        %dma_wait3A = tpu.memref_slice %arg4[%add3A] : memref<320000xi32, #tpu.memory_space<hbm>> -> memref<128xi32, #tpu.memory_space<hbm>>
        %dma_wait3A_366 = tpu.memref_slice %arg4[%add3A] : memref<320000xi32, #tpu.memory_space<hbm>> -> memref<128xi32, #tpu.memory_space<hbm>>
        tpu.wait_dma2 semaphore(%run_scoped3A : memref<!tpu.dma_semaphore, #tpu.memory_space<semaphore_mem>>) src(%dma_wait3A_366 : memref<128xi32, #tpu.memory_space<hbm>>) dst(%arg11 : memref<128xi32, #tpu.memory_space<vmem>>)
        tpu.yield
      }) : () -> ()
      "tpu.region"() ({
        %run_scoped3A = tpu.sem_alloc : memref<!tpu.dma_semaphore, #tpu.memory_space<semaphore_mem>>
        %dma_start3A = arith.constant 0 : i32
        %dma_start3A_365 = arith.constant 0 : i32
        %dma_start3A_366 = tpu.memref_slice %arg8[%dma_start3A, %dma_start3A_365] : memref<10000x64xf32, #tpu.memory_space<vmem_shared>> -> memref<10000x64xf32, #tpu.memory_space<vmem_shared>>
        tpu.enqueue_indirect_dma source(%dma_start3A_366 : memref<10000x64xf32, #tpu.memory_space<vmem_shared>>) target(%arg12 : memref<128x64xf32, #tpu.memory_space<vmem>>) offsets(%arg10 : memref<128xi32, #tpu.memory_space<vmem>>) semaphore(%run_scoped3A : memref<!tpu.dma_semaphore, #tpu.memory_space<semaphore_mem>>)
        %dma_wait3A = arith.constant 0 : i32
        %dma_wait3A_367 = arith.constant 0 : i32
        %dma_wait3A_368 = tpu.memref_slice %arg8[%dma_wait3A, %dma_wait3A_367] : memref<10000x64xf32, #tpu.memory_space<vmem_shared>> -> memref<10000x64xf32, #tpu.memory_space<vmem_shared>>
        tpu.wait_indirect_dma semaphore(%run_scoped3A : memref<!tpu.dma_semaphore, #tpu.memory_space<semaphore_mem>>) src(%dma_wait3A_368 : memref<10000x64xf32, #tpu.memory_space<vmem_shared>>) dst(%arg12 : memref<128x64xf32, #tpu.memory_space<vmem>>)
        tpu.yield
      }) : () -> ()
      "tpu.region"() ({
        %run_scoped3A = tpu.sem_alloc : memref<!tpu.dma_semaphore, #tpu.memory_space<semaphore_mem>>
        %dma_start3A = arith.constant 0 : i32
        %dma_start3A_365 = arith.constant 0 : i32
        %dma_start3A_366 = tpu.memref_slice %arg9[%dma_start3A, %dma_start3A_365] : memref<10000x64xf32, #tpu.memory_space<vmem_shared>> -> memref<10000x64xf32, #tpu.memory_space<vmem_shared>>
        tpu.enqueue_indirect_dma source(%arg12 : memref<128x64xf32, #tpu.memory_space<vmem>>) target(%dma_start3A_366 : memref<10000x64xf32, #tpu.memory_space<vmem_shared>>) offsets(%arg11 : memref<128xi32, #tpu.memory_space<vmem>>) semaphore(%run_scoped3A : memref<!tpu.dma_semaphore, #tpu.memory_space<semaphore_mem>>) {add = true}
        %dma_wait3A = arith.constant 0 : i32
        %dma_wait3A_367 = arith.constant 0 : i32
        %dma_wait3A_368 = tpu.memref_slice %arg9[%dma_wait3A, %dma_wait3A_367] : memref<10000x64xf32, #tpu.memory_space<vmem_shared>> -> memref<10000x64xf32, #tpu.memory_space<vmem_shared>>
        tpu.wait_indirect_dma semaphore(%run_scoped3A : memref<!tpu.dma_semaphore, #tpu.memory_space<semaphore_mem>>) src(%arg12 : memref<128x64xf32, #tpu.memory_space<vmem>>) dst(%dma_wait3A_368 : memref<10000x64xf32, #tpu.memory_space<vmem_shared>>)
        tpu.yield
      }) : () -> ()
      %eq3A_360 = arith.constant 0 : i32
      %eq3A_361 = arith.cmpi eq, %arg0, %eq3A_360 : i32
      %convert_element_type3A_362 = arith.extui %eq3A_361 : i1 to i32
      %cond3A_363 = arith.constant 0 : i32
      %cond3A_364 = arith.cmpi ne, %convert_element_type3A_362, %cond3A_363 : i32
      scf.if %cond3A_364 {
        "tpu.region"() ({
          %run_scoped3A = tpu.sem_alloc : memref<!tpu.dma_semaphore, #tpu.memory_space<semaphore_mem>>
          %dma_start3A = arith.constant 0 : i32
          %dma_start3A_365 = tpu.memref_slice %arg13[%dma_start3A] : memref<10000xf32, #tpu.memory_space<vmem_shared>> -> memref<10000xf32, #tpu.memory_space<vmem_shared>>
          tpu.enqueue_indirect_dma source(%arg14 : memref<128xf32, #tpu.memory_space<vmem>>) target(%dma_start3A_365 : memref<10000xf32, #tpu.memory_space<vmem_shared>>) offsets(%arg11 : memref<128xi32, #tpu.memory_space<vmem>>) semaphore(%run_scoped3A : memref<!tpu.dma_semaphore, #tpu.memory_space<semaphore_mem>>) {add = true}
          %dma_wait3A = arith.constant 0 : i32
          %dma_wait3A_366 = tpu.memref_slice %arg13[%dma_wait3A] : memref<10000xf32, #tpu.memory_space<vmem_shared>> -> memref<10000xf32, #tpu.memory_space<vmem_shared>>
          tpu.wait_indirect_dma semaphore(%run_scoped3A : memref<!tpu.dma_semaphore, #tpu.memory_space<semaphore_mem>>) src(%arg14 : memref<128xf32, #tpu.memory_space<vmem>>) dst(%dma_wait3A_366 : memref<10000xf32, #tpu.memory_space<vmem_shared>>)
          tpu.yield
        }) : () -> ()
      } else {
      }
    }
    %while3A_329 = arith.constant 1 : i32
    scf.for %while3A_357 = %while3A_327 to %while3A_323 step %while3A_329  : i32 {
      %mul3A_358 = arith.constant 128 : i32
      %mul3A_359 = arith.muli %while3A_357, %mul3A_358 : i32
      %add3A = arith.addi %mul3A_317, %mul3A_359 : i32
      "tpu.region"() ({
        %run_scoped3A = tpu.sem_alloc : memref<!tpu.dma_semaphore, #tpu.memory_space<semaphore_mem>>
        %dma_start3A = tpu.memref_slice %arg3[%add3A] : memref<320000xi32, #tpu.memory_space<hbm>> -> memref<128xi32, #tpu.memory_space<hbm>>
        %dma_start3A_365 = tpu.memref_slice %arg3[%add3A] : memref<320000xi32, #tpu.memory_space<hbm>> -> memref<128xi32, #tpu.memory_space<hbm>>
        tpu.enqueue_dma source(%dma_start3A_365 : memref<128xi32, #tpu.memory_space<hbm>>) target(%arg10 : memref<128xi32, #tpu.memory_space<vmem>>) target_semaphore(%run_scoped3A : memref<!tpu.dma_semaphore, #tpu.memory_space<semaphore_mem>>)
        %dma_wait3A = tpu.memref_slice %arg3[%add3A] : memref<320000xi32, #tpu.memory_space<hbm>> -> memref<128xi32, #tpu.memory_space<hbm>>
        %dma_wait3A_366 = tpu.memref_slice %arg3[%add3A] : memref<320000xi32, #tpu.memory_space<hbm>> -> memref<128xi32, #tpu.memory_space<hbm>>
        tpu.wait_dma2 semaphore(%run_scoped3A : memref<!tpu.dma_semaphore, #tpu.memory_space<semaphore_mem>>) src(%dma_wait3A_366 : memref<128xi32, #tpu.memory_space<hbm>>) dst(%arg10 : memref<128xi32, #tpu.memory_space<vmem>>)
        tpu.yield
      }) : () -> ()
      "tpu.region"() ({
        %run_scoped3A = tpu.sem_alloc : memref<!tpu.dma_semaphore, #tpu.memory_space<semaphore_mem>>
        %dma_start3A = tpu.memref_slice %arg4[%add3A] : memref<320000xi32, #tpu.memory_space<hbm>> -> memref<128xi32, #tpu.memory_space<hbm>>
        %dma_start3A_365 = tpu.memref_slice %arg4[%add3A] : memref<320000xi32, #tpu.memory_space<hbm>> -> memref<128xi32, #tpu.memory_space<hbm>>
        tpu.enqueue_dma source(%dma_start3A_365 : memref<128xi32, #tpu.memory_space<hbm>>) target(%arg11 : memref<128xi32, #tpu.memory_space<vmem>>) target_semaphore(%run_scoped3A : memref<!tpu.dma_semaphore, #tpu.memory_space<semaphore_mem>>)
        %dma_wait3A = tpu.memref_slice %arg4[%add3A] : memref<320000xi32, #tpu.memory_space<hbm>> -> memref<128xi32, #tpu.memory_space<hbm>>
        %dma_wait3A_366 = tpu.memref_slice %arg4[%add3A] : memref<320000xi32, #tpu.memory_space<hbm>> -> memref<128xi32, #tpu.memory_space<hbm>>
        tpu.wait_dma2 semaphore(%run_scoped3A : memref<!tpu.dma_semaphore, #tpu.memory_space<semaphore_mem>>) src(%dma_wait3A_366 : memref<128xi32, #tpu.memory_space<hbm>>) dst(%arg11 : memref<128xi32, #tpu.memory_space<vmem>>)
        tpu.yield
      }) : () -> ()
      "tpu.region"() ({
        %run_scoped3A = tpu.sem_alloc : memref<!tpu.dma_semaphore, #tpu.memory_space<semaphore_mem>>
        %dma_start3A = arith.constant 0 : i32
        %dma_start3A_365 = arith.constant 0 : i32
        %dma_start3A_366 = tpu.memref_slice %arg8[%dma_start3A, %dma_start3A_365] : memref<10000x64xf32, #tpu.memory_space<vmem_shared>> -> memref<10000x64xf32, #tpu.memory_space<vmem_shared>>
        tpu.enqueue_indirect_dma source(%dma_start3A_366 : memref<10000x64xf32, #tpu.memory_space<vmem_shared>>) target(%arg12 : memref<128x64xf32, #tpu.memory_space<vmem>>) offsets(%arg10 : memref<128xi32, #tpu.memory_space<vmem>>) semaphore(%run_scoped3A : memref<!tpu.dma_semaphore, #tpu.memory_space<semaphore_mem>>)
        %dma_wait3A = arith.constant 0 : i32
        %dma_wait3A_367 = arith.constant 0 : i32
        %dma_wait3A_368 = tpu.memref_slice %arg8[%dma_wait3A, %dma_wait3A_367] : memref<10000x64xf32, #tpu.memory_space<vmem_shared>> -> memref<10000x64xf32, #tpu.memory_space<vmem_shared>>
        tpu.wait_indirect_dma semaphore(%run_scoped3A : memref<!tpu.dma_semaphore, #tpu.memory_space<semaphore_mem>>) src(%dma_wait3A_368 : memref<10000x64xf32, #tpu.memory_space<vmem_shared>>) dst(%arg12 : memref<128x64xf32, #tpu.memory_space<vmem>>)
        tpu.yield
      }) : () -> ()
      "tpu.region"() ({
        %run_scoped3A = tpu.sem_alloc : memref<!tpu.dma_semaphore, #tpu.memory_space<semaphore_mem>>
        %dma_start3A = arith.constant 0 : i32
        %dma_start3A_365 = arith.constant 0 : i32
        %dma_start3A_366 = tpu.memref_slice %arg9[%dma_start3A, %dma_start3A_365] : memref<10000x64xf32, #tpu.memory_space<vmem_shared>> -> memref<10000x64xf32, #tpu.memory_space<vmem_shared>>
        tpu.enqueue_indirect_dma source(%arg12 : memref<128x64xf32, #tpu.memory_space<vmem>>) target(%dma_start3A_366 : memref<10000x64xf32, #tpu.memory_space<vmem_shared>>) offsets(%arg11 : memref<128xi32, #tpu.memory_space<vmem>>) semaphore(%run_scoped3A : memref<!tpu.dma_semaphore, #tpu.memory_space<semaphore_mem>>) {add = true}
        %dma_wait3A = arith.constant 0 : i32
        %dma_wait3A_367 = arith.constant 0 : i32
        %dma_wait3A_368 = tpu.memref_slice %arg9[%dma_wait3A, %dma_wait3A_367] : memref<10000x64xf32, #tpu.memory_space<vmem_shared>> -> memref<10000x64xf32, #tpu.memory_space<vmem_shared>>
        tpu.wait_indirect_dma semaphore(%run_scoped3A : memref<!tpu.dma_semaphore, #tpu.memory_space<semaphore_mem>>) src(%arg12 : memref<128x64xf32, #tpu.memory_space<vmem>>) dst(%dma_wait3A_368 : memref<10000x64xf32, #tpu.memory_space<vmem_shared>>)
        tpu.yield
      }) : () -> ()
      %eq3A_360 = arith.constant 0 : i32
      %eq3A_361 = arith.cmpi eq, %arg0, %eq3A_360 : i32
      %convert_element_type3A_362 = arith.extui %eq3A_361 : i1 to i32
      %cond3A_363 = arith.constant 0 : i32
      %cond3A_364 = arith.cmpi ne, %convert_element_type3A_362, %cond3A_363 : i32
      scf.if %cond3A_364 {
        "tpu.region"() ({
          %run_scoped3A = tpu.sem_alloc : memref<!tpu.dma_semaphore, #tpu.memory_space<semaphore_mem>>
          %dma_start3A = arith.constant 0 : i32
          %dma_start3A_365 = tpu.memref_slice %arg13[%dma_start3A] : memref<10000xf32, #tpu.memory_space<vmem_shared>> -> memref<10000xf32, #tpu.memory_space<vmem_shared>>
          tpu.enqueue_indirect_dma source(%arg14 : memref<128xf32, #tpu.memory_space<vmem>>) target(%dma_start3A_365 : memref<10000xf32, #tpu.memory_space<vmem_shared>>) offsets(%arg11 : memref<128xi32, #tpu.memory_space<vmem>>) semaphore(%run_scoped3A : memref<!tpu.dma_semaphore, #tpu.memory_space<semaphore_mem>>) {add = true}
          %dma_wait3A = arith.constant 0 : i32
          %dma_wait3A_366 = tpu.memref_slice %arg13[%dma_wait3A] : memref<10000xf32, #tpu.memory_space<vmem_shared>> -> memref<10000xf32, #tpu.memory_space<vmem_shared>>
          tpu.wait_indirect_dma semaphore(%run_scoped3A : memref<!tpu.dma_semaphore, #tpu.memory_space<semaphore_mem>>) src(%arg14 : memref<128xf32, #tpu.memory_space<vmem>>) dst(%dma_wait3A_366 : memref<10000xf32, #tpu.memory_space<vmem_shared>>)
          tpu.yield
        }) : () -> ()
      } else {
      }
    }
    %barrier3A_330 = arith.constant 0 : index
    tpu.barrier barrier_id(%barrier3A_330)
    %lt3A_331 = arith.constant 15 : i32
    %lt3A_332 = arith.cmpi slt, %arg1, %lt3A_331 : i32
    %convert_element_type3A_333 = arith.extui %lt3A_332 : i1 to i32
    %cond3A_334 = arith.constant 0 : i32
    %cond3A_335 = arith.cmpi ne, %convert_element_type3A_333, %cond3A_334 : i32
    scf.if %cond3A_335 {
      %mul3A_357 = arith.constant 624 : i32
      %mul3A_358 = arith.muli %arg1, %mul3A_357 : i32
      %mul3A_359 = arith.constant 624 : i32
      %mul3A_360 = arith.muli %arg1, %mul3A_359 : i32
      "tpu.region"() ({
        %run_scoped3A = tpu.sem_alloc : memref<!tpu.dma_semaphore, #tpu.memory_space<semaphore_mem>>
        %dma_start3A = arith.constant 0 : i32
        %dma_start3A_361 = tpu.memref_slice %arg6[%arg0, %mul3A_360, %dma_start3A] : memref<2x10000x64xf32, #tpu.memory_space<hbm>> -> memref<1x624x64xf32, #tpu.memory_space<hbm>>
        %dma_start3A_362 = tpu.memref_squeeze %dma_start3A_361 : memref<1x624x64xf32, #tpu.memory_space<hbm>> -> memref<624x64xf32, #tpu.memory_space<hbm>>
        %dma_start3A_363 = arith.constant 0 : i32
        %dma_start3A_364 = tpu.memref_slice %arg9[%mul3A_358, %dma_start3A_363] : memref<10000x64xf32, #tpu.memory_space<vmem_shared>> -> memref<624x64xf32, #tpu.memory_space<vmem_shared>>
        tpu.enqueue_dma source(%dma_start3A_364 : memref<624x64xf32, #tpu.memory_space<vmem_shared>>) target(%dma_start3A_362 : memref<624x64xf32, #tpu.memory_space<hbm>>) target_semaphore(%run_scoped3A : memref<!tpu.dma_semaphore, #tpu.memory_space<semaphore_mem>>)
        %dma_wait3A = arith.constant 0 : i32
        %dma_wait3A_365 = tpu.memref_slice %arg6[%arg0, %mul3A_360, %dma_wait3A] : memref<2x10000x64xf32, #tpu.memory_space<hbm>> -> memref<1x624x64xf32, #tpu.memory_space<hbm>>
        %dma_wait3A_366 = tpu.memref_squeeze %dma_wait3A_365 : memref<1x624x64xf32, #tpu.memory_space<hbm>> -> memref<624x64xf32, #tpu.memory_space<hbm>>
        %dma_wait3A_367 = arith.constant 0 : i32
        %dma_wait3A_368 = tpu.memref_slice %arg9[%mul3A_358, %dma_wait3A_367] : memref<10000x64xf32, #tpu.memory_space<vmem_shared>> -> memref<624x64xf32, #tpu.memory_space<vmem_shared>>
        tpu.wait_dma2 semaphore(%run_scoped3A : memref<!tpu.dma_semaphore, #tpu.memory_space<semaphore_mem>>) src(%dma_wait3A_368 : memref<624x64xf32, #tpu.memory_space<vmem_shared>>) dst(%dma_wait3A_366 : memref<624x64xf32, #tpu.memory_space<hbm>>)
        tpu.yield
      }) : () -> ()
    } else {
    }
    %eq3A_336 = arith.constant 15 : i32
    %eq3A_337 = arith.cmpi eq, %arg1, %eq3A_336 : i32
    %convert_element_type3A_338 = arith.extui %eq3A_337 : i1 to i32
    %cond3A_339 = arith.constant 0 : i32
    %cond3A_340 = arith.cmpi ne, %convert_element_type3A_338, %cond3A_339 : i32
    scf.if %cond3A_340 {
      "tpu.region"() ({
        %run_scoped3A = tpu.sem_alloc : memref<!tpu.dma_semaphore, #tpu.memory_space<semaphore_mem>>
        %dma_start3A = arith.constant 9360 : i32
        %dma_start3A_357 = arith.constant 0 : i32
        %dma_start3A_358 = tpu.memref_slice %arg6[%arg0, %dma_start3A, %dma_start3A_357] : memref<2x10000x64xf32, #tpu.memory_space<hbm>> -> memref<1x640x64xf32, #tpu.memory_space<hbm>>
        %dma_start3A_359 = tpu.memref_squeeze %dma_start3A_358 : memref<1x640x64xf32, #tpu.memory_space<hbm>> -> memref<640x64xf32, #tpu.memory_space<hbm>>
        %dma_start3A_360 = arith.constant 9360 : i32
        %dma_start3A_361 = arith.constant 0 : i32
        %dma_start3A_362 = tpu.memref_slice %arg9[%dma_start3A_360, %dma_start3A_361] : memref<10000x64xf32, #tpu.memory_space<vmem_shared>> -> memref<640x64xf32, #tpu.memory_space<vmem_shared>>
        tpu.enqueue_dma source(%dma_start3A_362 : memref<640x64xf32, #tpu.memory_space<vmem_shared>>) target(%dma_start3A_359 : memref<640x64xf32, #tpu.memory_space<hbm>>) target_semaphore(%run_scoped3A : memref<!tpu.dma_semaphore, #tpu.memory_space<semaphore_mem>>)
        %dma_wait3A = arith.constant 9360 : i32
        %dma_wait3A_363 = arith.constant 0 : i32
        %dma_wait3A_364 = tpu.memref_slice %arg6[%arg0, %dma_wait3A, %dma_wait3A_363] : memref<2x10000x64xf32, #tpu.memory_space<hbm>> -> memref<1x640x64xf32, #tpu.memory_space<hbm>>
        %dma_wait3A_365 = tpu.memref_squeeze %dma_wait3A_364 : memref<1x640x64xf32, #tpu.memory_space<hbm>> -> memref<640x64xf32, #tpu.memory_space<hbm>>
        %dma_wait3A_366 = arith.constant 9360 : i32
        %dma_wait3A_367 = arith.constant 0 : i32
        %dma_wait3A_368 = tpu.memref_slice %arg9[%dma_wait3A_366, %dma_wait3A_367] : memref<10000x64xf32, #tpu.memory_space<vmem_shared>> -> memref<640x64xf32, #tpu.memory_space<vmem_shared>>
        tpu.wait_dma2 semaphore(%run_scoped3A : memref<!tpu.dma_semaphore, #tpu.memory_space<semaphore_mem>>) src(%dma_wait3A_368 : memref<640x64xf32, #tpu.memory_space<vmem_shared>>) dst(%dma_wait3A_365 : memref<640x64xf32, #tpu.memory_space<hbm>>)
        tpu.yield
      }) : () -> ()
    } else {
    }
    %eq3A_341 = arith.constant 0 : i32
    %eq3A_342 = arith.cmpi eq, %arg0, %eq3A_341 : i32
    %lt3A_343 = arith.constant 15 : i32
    %lt3A_344 = arith.cmpi slt, %arg1, %lt3A_343 : i32
    %and3A_345 = arith.andi %eq3A_342, %lt3A_344 : i1
    %convert_element_type3A_346 = arith.extui %and3A_345 : i1 to i32
    %cond3A_347 = arith.constant 0 : i32
    %cond3A_348 = arith.cmpi ne, %convert_element_type3A_346, %cond3A_347 : i32
    scf.if %cond3A_348 {
      %mul3A_357 = arith.constant 640 : i32
      %mul3A_358 = arith.muli %arg1, %mul3A_357 : i32
      "tpu.region"() ({
        %run_scoped3A = tpu.sem_alloc : memref<!tpu.dma_semaphore, #tpu.memory_space<semaphore_mem>>
        %dma_start3A = tpu.memref_slice %arg13[%mul3A_358] : memref<10000xf32, #tpu.memory_space<vmem_shared>> -> memref<640xf32, #tpu.memory_space<vmem_shared>>
        %dma_start3A_361 = tpu.memref_slice %arg13[%mul3A_358] : memref<10000xf32, #tpu.memory_space<vmem_shared>> -> memref<640xf32, #tpu.memory_space<vmem_shared>>
        tpu.enqueue_dma source(%dma_start3A_361 : memref<640xf32, #tpu.memory_space<vmem_shared>>) target(%arg15 : memref<640xf32, #tpu.memory_space<vmem>>) target_semaphore(%run_scoped3A : memref<!tpu.dma_semaphore, #tpu.memory_space<semaphore_mem>>)
        %dma_wait3A = tpu.memref_slice %arg13[%mul3A_358] : memref<10000xf32, #tpu.memory_space<vmem_shared>> -> memref<640xf32, #tpu.memory_space<vmem_shared>>
        %dma_wait3A_362 = tpu.memref_slice %arg13[%mul3A_358] : memref<10000xf32, #tpu.memory_space<vmem_shared>> -> memref<640xf32, #tpu.memory_space<vmem_shared>>
        tpu.wait_dma2 semaphore(%run_scoped3A : memref<!tpu.dma_semaphore, #tpu.memory_space<semaphore_mem>>) src(%dma_wait3A_362 : memref<640xf32, #tpu.memory_space<vmem_shared>>) dst(%arg15 : memref<640xf32, #tpu.memory_space<vmem>>)
        tpu.yield
      }) : () -> ()
      %mul3A_359 = arith.constant 640 : i32
      %mul3A_360 = arith.muli %arg1, %mul3A_359 : i32
      "tpu.region"() ({
        %run_scoped3A = tpu.sem_alloc : memref<!tpu.dma_semaphore, #tpu.memory_space<semaphore_mem>>
        %dma_start3A = tpu.memref_slice %arg7[%mul3A_360] : memref<10000xf32, #tpu.memory_space<hbm>> -> memref<640xf32, #tpu.memory_space<hbm>>
        %dma_start3A_361 = tpu.memref_slice %arg7[%mul3A_360] : memref<10000xf32, #tpu.memory_space<hbm>> -> memref<640xf32, #tpu.memory_space<hbm>>
        tpu.enqueue_dma source(%arg15 : memref<640xf32, #tpu.memory_space<vmem>>) target(%dma_start3A_361 : memref<640xf32, #tpu.memory_space<hbm>>) target_semaphore(%run_scoped3A : memref<!tpu.dma_semaphore, #tpu.memory_space<semaphore_mem>>)
        %dma_wait3A = tpu.memref_slice %arg7[%mul3A_360] : memref<10000xf32, #tpu.memory_space<hbm>> -> memref<640xf32, #tpu.memory_space<hbm>>
        %dma_wait3A_362 = tpu.memref_slice %arg7[%mul3A_360] : memref<10000xf32, #tpu.memory_space<hbm>> -> memref<640xf32, #tpu.memory_space<hbm>>
        tpu.wait_dma2 semaphore(%run_scoped3A : memref<!tpu.dma_semaphore, #tpu.memory_space<semaphore_mem>>) src(%arg15 : memref<640xf32, #tpu.memory_space<vmem>>) dst(%dma_wait3A_362 : memref<640xf32, #tpu.memory_space<hbm>>)
        tpu.yield
      }) : () -> ()
    } else {
    }
    %eq3A_349 = arith.constant 0 : i32
    %eq3A_350 = arith.cmpi eq, %arg0, %eq3A_349 : i32
    %eq3A_351 = arith.constant 15 : i32
    %eq3A_352 = arith.cmpi eq, %arg1, %eq3A_351 : i32
    %and3A_353 = arith.andi %eq3A_350, %eq3A_352 : i1
    %convert_element_type3A_354 = arith.extui %and3A_353 : i1 to i32
    %cond3A_355 = arith.constant 0 : i32
    %cond3A_356 = arith.cmpi ne, %convert_element_type3A_354, %cond3A_355 : i32
    scf.if %cond3A_356 {
      "tpu.region"() ({
        %run_scoped3A = tpu.sem_alloc : memref<!tpu.dma_semaphore, #tpu.memory_space<semaphore_mem>>
        %dma_start3A = arith.constant 0 : i32
        %dma_start3A_357 = tpu.memref_slice %arg15[%dma_start3A] : memref<640xf32, #tpu.memory_space<vmem>> -> memref<400xf32, #tpu.memory_space<vmem>>
        %dma_start3A_358 = arith.constant 9600 : i32
        %dma_start3A_359 = tpu.memref_slice %arg13[%dma_start3A_358] : memref<10000xf32, #tpu.memory_space<vmem_shared>> -> memref<400xf32, #tpu.memory_space<vmem_shared>>
        %dma_start3A_360 = arith.constant 0 : i32
        %dma_start3A_361 = tpu.memref_slice %arg15[%dma_start3A_360] : memref<640xf32, #tpu.memory_space<vmem>> -> memref<400xf32, #tpu.memory_space<vmem>>
        %dma_start3A_362 = arith.constant 9600 : i32
        %dma_start3A_363 = tpu.memref_slice %arg13[%dma_start3A_362] : memref<10000xf32, #tpu.memory_space<vmem_shared>> -> memref<400xf32, #tpu.memory_space<vmem_shared>>
        tpu.enqueue_dma source(%dma_start3A_363 : memref<400xf32, #tpu.memory_space<vmem_shared>>) target(%dma_start3A_361 : memref<400xf32, #tpu.memory_space<vmem>>) target_semaphore(%run_scoped3A : memref<!tpu.dma_semaphore, #tpu.memory_space<semaphore_mem>>)
        %dma_wait3A = arith.constant 0 : i32
        %dma_wait3A_364 = tpu.memref_slice %arg15[%dma_wait3A] : memref<640xf32, #tpu.memory_space<vmem>> -> memref<400xf32, #tpu.memory_space<vmem>>
        %dma_wait3A_365 = arith.constant 9600 : i32
        %dma_wait3A_366 = tpu.memref_slice %arg13[%dma_wait3A_365] : memref<10000xf32, #tpu.memory_space<vmem_shared>> -> memref<400xf32, #tpu.memory_space<vmem_shared>>
        %dma_wait3A_367 = arith.constant 0 : i32
        %dma_wait3A_368 = tpu.memref_slice %arg15[%dma_wait3A_367] : memref<640xf32, #tpu.memory_space<vmem>> -> memref<400xf32, #tpu.memory_space<vmem>>
        %dma_wait3A_369 = arith.constant 9600 : i32
        %dma_wait3A_370 = tpu.memref_slice %arg13[%dma_wait3A_369] : memref<10000xf32, #tpu.memory_space<vmem_shared>> -> memref<400xf32, #tpu.memory_space<vmem_shared>>
        tpu.wait_dma2 semaphore(%run_scoped3A : memref<!tpu.dma_semaphore, #tpu.memory_space<semaphore_mem>>) src(%dma_wait3A_370 : memref<400xf32, #tpu.memory_space<vmem_shared>>) dst(%dma_wait3A_368 : memref<400xf32, #tpu.memory_space<vmem>>)
        tpu.yield
      }) : () -> ()
      "tpu.region"() ({
        %run_scoped3A = tpu.sem_alloc : memref<!tpu.dma_semaphore, #tpu.memory_space<semaphore_mem>>
        %dma_start3A = arith.constant 0 : i32
        %dma_start3A_357 = tpu.memref_slice %arg15[%dma_start3A] : memref<640xf32, #tpu.memory_space<vmem>> -> memref<400xf32, #tpu.memory_space<vmem>>
        %dma_start3A_358 = arith.constant 9600 : i32
        %dma_start3A_359 = tpu.memref_slice %arg7[%dma_start3A_358] : memref<10000xf32, #tpu.memory_space<hbm>> -> memref<400xf32, #tpu.memory_space<hbm>>
        %dma_start3A_360 = arith.constant 9600 : i32
        %dma_start3A_361 = tpu.memref_slice %arg7[%dma_start3A_360] : memref<10000xf32, #tpu.memory_space<hbm>> -> memref<400xf32, #tpu.memory_space<hbm>>
        %dma_start3A_362 = arith.constant 0 : i32
        %dma_start3A_363 = tpu.memref_slice %arg15[%dma_start3A_362] : memref<640xf32, #tpu.memory_space<vmem>> -> memref<400xf32, #tpu.memory_space<vmem>>
        tpu.enqueue_dma source(%dma_start3A_363 : memref<400xf32, #tpu.memory_space<vmem>>) target(%dma_start3A_361 : memref<400xf32, #tpu.memory_space<hbm>>) target_semaphore(%run_scoped3A : memref<!tpu.dma_semaphore, #tpu.memory_space<semaphore_mem>>)
        %dma_wait3A = arith.constant 0 : i32
        %dma_wait3A_364 = tpu.memref_slice %arg15[%dma_wait3A] : memref<640xf32, #tpu.memory_space<vmem>> -> memref<400xf32, #tpu.memory_space<vmem>>
        %dma_wait3A_365 = arith.constant 9600 : i32
        %dma_wait3A_366 = tpu.memref_slice %arg7[%dma_wait3A_365] : memref<10000xf32, #tpu.memory_space<hbm>> -> memref<400xf32, #tpu.memory_space<hbm>>
        %dma_wait3A_367 = arith.constant 9600 : i32
        %dma_wait3A_368 = tpu.memref_slice %arg7[%dma_wait3A_367] : memref<10000xf32, #tpu.memory_space<hbm>> -> memref<400xf32, #tpu.memory_space<hbm>>
        %dma_wait3A_369 = arith.constant 0 : i32
        %dma_wait3A_370 = tpu.memref_slice %arg15[%dma_wait3A_369] : memref<640xf32, #tpu.memory_space<vmem>> -> memref<400xf32, #tpu.memory_space<vmem>>
        tpu.wait_dma2 semaphore(%run_scoped3A : memref<!tpu.dma_semaphore, #tpu.memory_space<semaphore_mem>>) src(%dma_wait3A_370 : memref<400xf32, #tpu.memory_space<vmem>>) dst(%dma_wait3A_368 : memref<400xf32, #tpu.memory_space<hbm>>)
        tpu.yield
      }) : () -> ()
    } else {
    }
    return
  }
}

#map = affine_map<(d0, d1) -> (0, 0, 0)>
#map1 = affine_map<(d0, d1) -> (0)>
#map2 = affine_map<(d0, d1) -> (0, 0)>
module attributes {stable_mosaic.version = 14 : i64} {
  func.func @body(%arg0: i32, %arg1: i32, %arg2: memref<2x10000x64xf32, #tpu.memory_space<hbm>>, %arg3: memref<320000xi32, #tpu.memory_space<hbm>>, %arg4: memref<320000xi32, #tpu.memory_space<hbm>>, %arg5: memref<10000x64xf32, #tpu.memory_space<hbm>>, %arg6: memref<2x10000x64xf32, #tpu.memory_space<hbm>>, %arg7: memref<10000x64xf32, #tpu.memory_space<vmem_shared>>, %arg8: memref<10000x64xf32, #tpu.memory_space<vmem_shared>>, %arg9: memref<128xi32, #tpu.memory_space<vmem>>, %arg10: memref<128xi32, #tpu.memory_space<vmem>>, %arg11: memref<128x64xf32, #tpu.memory_space<vmem>>) attributes {dimension_semantics = [#tpu.dimension_semantics<core_parallel>, #tpu.dimension_semantics<subcore_parallel>], iteration_bounds = array<i64: 2, 16>, scalar_prefetch = 0 : i64, scratch_operands = 5 : i64, tpu.core_type = #tpu.core_type<sc_vector_subcore>, window_params = [{transform_indices = #map}, {transform_indices = #map1}, {transform_indices = #map1}, {transform_indices = #map2}, {transform_indices = #map}]} {
    %lt3A = arith.constant 15 : i32
    %lt3A_0 = arith.cmpi slt, %arg1, %lt3A : i32
    %convert_element_type3A = arith.extui %lt3A_0 : i1 to i32
    %cond3A = arith.constant 0 : i32
    %cond3A_1 = arith.cmpi ne, %convert_element_type3A, %cond3A : i32
    scf.if %cond3A_1 {
      %mul3A_40 = arith.constant 624 : i32
      %mul3A_41 = arith.muli %arg1, %mul3A_40 : i32
      %mul3A_42 = arith.constant 624 : i32
      %mul3A_43 = arith.muli %arg1, %mul3A_42 : i32
      "tpu.region"() ({
        %run_scoped3A = tpu.sem_alloc : memref<!tpu.dma_semaphore, #tpu.memory_space<semaphore_mem>>
        %dma_start3A = arith.constant 0 : i32
        %dma_start3A_44 = tpu.memref_slice %arg7[%mul3A_43, %dma_start3A] : memref<10000x64xf32, #tpu.memory_space<vmem_shared>> -> memref<624x64xf32, #tpu.memory_space<vmem_shared>>
        %dma_start3A_45 = arith.constant 0 : i32
        %dma_start3A_46 = tpu.memref_slice %arg2[%arg0, %mul3A_41, %dma_start3A_45] : memref<2x10000x64xf32, #tpu.memory_space<hbm>> -> memref<1x624x64xf32, #tpu.memory_space<hbm>>
        %dma_start3A_47 = tpu.memref_squeeze %dma_start3A_46 : memref<1x624x64xf32, #tpu.memory_space<hbm>> -> memref<624x64xf32, #tpu.memory_space<hbm>>
        tpu.enqueue_dma source(%dma_start3A_47 : memref<624x64xf32, #tpu.memory_space<hbm>>) target(%dma_start3A_44 : memref<624x64xf32, #tpu.memory_space<vmem_shared>>) target_semaphore(%run_scoped3A : memref<!tpu.dma_semaphore, #tpu.memory_space<semaphore_mem>>)
        %dma_wait3A = arith.constant 0 : i32
        %dma_wait3A_48 = tpu.memref_slice %arg7[%mul3A_43, %dma_wait3A] : memref<10000x64xf32, #tpu.memory_space<vmem_shared>> -> memref<624x64xf32, #tpu.memory_space<vmem_shared>>
        %dma_wait3A_49 = arith.constant 0 : i32
        %dma_wait3A_50 = tpu.memref_slice %arg2[%arg0, %mul3A_41, %dma_wait3A_49] : memref<2x10000x64xf32, #tpu.memory_space<hbm>> -> memref<1x624x64xf32, #tpu.memory_space<hbm>>
        %dma_wait3A_51 = tpu.memref_squeeze %dma_wait3A_50 : memref<1x624x64xf32, #tpu.memory_space<hbm>> -> memref<624x64xf32, #tpu.memory_space<hbm>>
        tpu.wait_dma2 semaphore(%run_scoped3A : memref<!tpu.dma_semaphore, #tpu.memory_space<semaphore_mem>>) src(%dma_wait3A_51 : memref<624x64xf32, #tpu.memory_space<hbm>>) dst(%dma_wait3A_48 : memref<624x64xf32, #tpu.memory_space<vmem_shared>>)
        tpu.yield
      }) : () -> ()
    } else {
    }
    %eq3A = arith.constant 15 : i32
    %eq3A_2 = arith.cmpi eq, %arg1, %eq3A : i32
    %convert_element_type3A_3 = arith.extui %eq3A_2 : i1 to i32
    %cond3A_4 = arith.constant 0 : i32
    %cond3A_5 = arith.cmpi ne, %convert_element_type3A_3, %cond3A_4 : i32
    scf.if %cond3A_5 {
      "tpu.region"() ({
        %run_scoped3A = tpu.sem_alloc : memref<!tpu.dma_semaphore, #tpu.memory_space<semaphore_mem>>
        %dma_start3A = arith.constant 9360 : i32
        %dma_start3A_40 = arith.constant 0 : i32
        %dma_start3A_41 = tpu.memref_slice %arg7[%dma_start3A, %dma_start3A_40] : memref<10000x64xf32, #tpu.memory_space<vmem_shared>> -> memref<640x64xf32, #tpu.memory_space<vmem_shared>>
        %dma_start3A_42 = arith.constant 9360 : i32
        %dma_start3A_43 = arith.constant 0 : i32
        %dma_start3A_44 = tpu.memref_slice %arg2[%arg0, %dma_start3A_42, %dma_start3A_43] : memref<2x10000x64xf32, #tpu.memory_space<hbm>> -> memref<1x640x64xf32, #tpu.memory_space<hbm>>
        %dma_start3A_45 = tpu.memref_squeeze %dma_start3A_44 : memref<1x640x64xf32, #tpu.memory_space<hbm>> -> memref<640x64xf32, #tpu.memory_space<hbm>>
        tpu.enqueue_dma source(%dma_start3A_45 : memref<640x64xf32, #tpu.memory_space<hbm>>) target(%dma_start3A_41 : memref<640x64xf32, #tpu.memory_space<vmem_shared>>) target_semaphore(%run_scoped3A : memref<!tpu.dma_semaphore, #tpu.memory_space<semaphore_mem>>)
        %dma_wait3A = arith.constant 9360 : i32
        %dma_wait3A_46 = arith.constant 0 : i32
        %dma_wait3A_47 = tpu.memref_slice %arg7[%dma_wait3A, %dma_wait3A_46] : memref<10000x64xf32, #tpu.memory_space<vmem_shared>> -> memref<640x64xf32, #tpu.memory_space<vmem_shared>>
        %dma_wait3A_48 = arith.constant 9360 : i32
        %dma_wait3A_49 = arith.constant 0 : i32
        %dma_wait3A_50 = tpu.memref_slice %arg2[%arg0, %dma_wait3A_48, %dma_wait3A_49] : memref<2x10000x64xf32, #tpu.memory_space<hbm>> -> memref<1x640x64xf32, #tpu.memory_space<hbm>>
        %dma_wait3A_51 = tpu.memref_squeeze %dma_wait3A_50 : memref<1x640x64xf32, #tpu.memory_space<hbm>> -> memref<640x64xf32, #tpu.memory_space<hbm>>
        tpu.wait_dma2 semaphore(%run_scoped3A : memref<!tpu.dma_semaphore, #tpu.memory_space<semaphore_mem>>) src(%dma_wait3A_51 : memref<640x64xf32, #tpu.memory_space<hbm>>) dst(%dma_wait3A_47 : memref<640x64xf32, #tpu.memory_space<vmem_shared>>)
        tpu.yield
      }) : () -> ()
    } else {
    }
    %lt3A_6 = arith.constant 15 : i32
    %lt3A_7 = arith.cmpi slt, %arg1, %lt3A_6 : i32
    %convert_element_type3A_8 = arith.extui %lt3A_7 : i1 to i32
    %cond3A_9 = arith.constant 0 : i32
    %cond3A_10 = arith.cmpi ne, %convert_element_type3A_8, %cond3A_9 : i32
    scf.if %cond3A_10 {
      %mul3A_40 = arith.constant 624 : i32
      %mul3A_41 = arith.muli %arg1, %mul3A_40 : i32
      %mul3A_42 = arith.constant 624 : i32
      %mul3A_43 = arith.muli %arg1, %mul3A_42 : i32
      "tpu.region"() ({
        %run_scoped3A = tpu.sem_alloc : memref<!tpu.dma_semaphore, #tpu.memory_space<semaphore_mem>>
        %dma_start3A = arith.constant 0 : i32
        %dma_start3A_44 = tpu.memref_slice %arg8[%mul3A_43, %dma_start3A] : memref<10000x64xf32, #tpu.memory_space<vmem_shared>> -> memref<624x64xf32, #tpu.memory_space<vmem_shared>>
        %dma_start3A_45 = arith.constant 0 : i32
        %dma_start3A_46 = tpu.memref_slice %arg5[%mul3A_41, %dma_start3A_45] : memref<10000x64xf32, #tpu.memory_space<hbm>> -> memref<624x64xf32, #tpu.memory_space<hbm>>
        tpu.enqueue_dma source(%dma_start3A_46 : memref<624x64xf32, #tpu.memory_space<hbm>>) target(%dma_start3A_44 : memref<624x64xf32, #tpu.memory_space<vmem_shared>>) target_semaphore(%run_scoped3A : memref<!tpu.dma_semaphore, #tpu.memory_space<semaphore_mem>>)
        %dma_wait3A = arith.constant 0 : i32
        %dma_wait3A_47 = tpu.memref_slice %arg8[%mul3A_43, %dma_wait3A] : memref<10000x64xf32, #tpu.memory_space<vmem_shared>> -> memref<624x64xf32, #tpu.memory_space<vmem_shared>>
        %dma_wait3A_48 = arith.constant 0 : i32
        %dma_wait3A_49 = tpu.memref_slice %arg5[%mul3A_41, %dma_wait3A_48] : memref<10000x64xf32, #tpu.memory_space<hbm>> -> memref<624x64xf32, #tpu.memory_space<hbm>>
        tpu.wait_dma2 semaphore(%run_scoped3A : memref<!tpu.dma_semaphore, #tpu.memory_space<semaphore_mem>>) src(%dma_wait3A_49 : memref<624x64xf32, #tpu.memory_space<hbm>>) dst(%dma_wait3A_47 : memref<624x64xf32, #tpu.memory_space<vmem_shared>>)
        tpu.yield
      }) : () -> ()
    } else {
    }
    %eq3A_11 = arith.constant 15 : i32
    %eq3A_12 = arith.cmpi eq, %arg1, %eq3A_11 : i32
    %convert_element_type3A_13 = arith.extui %eq3A_12 : i1 to i32
    %cond3A_14 = arith.constant 0 : i32
    %cond3A_15 = arith.cmpi ne, %convert_element_type3A_13, %cond3A_14 : i32
    scf.if %cond3A_15 {
      "tpu.region"() ({
        %run_scoped3A = tpu.sem_alloc : memref<!tpu.dma_semaphore, #tpu.memory_space<semaphore_mem>>
        %dma_start3A = arith.constant 9360 : i32
        %dma_start3A_40 = arith.constant 0 : i32
        %dma_start3A_41 = tpu.memref_slice %arg8[%dma_start3A, %dma_start3A_40] : memref<10000x64xf32, #tpu.memory_space<vmem_shared>> -> memref<640x64xf32, #tpu.memory_space<vmem_shared>>
        %dma_start3A_42 = arith.constant 9360 : i32
        %dma_start3A_43 = arith.constant 0 : i32
        %dma_start3A_44 = tpu.memref_slice %arg5[%dma_start3A_42, %dma_start3A_43] : memref<10000x64xf32, #tpu.memory_space<hbm>> -> memref<640x64xf32, #tpu.memory_space<hbm>>
        tpu.enqueue_dma source(%dma_start3A_44 : memref<640x64xf32, #tpu.memory_space<hbm>>) target(%dma_start3A_41 : memref<640x64xf32, #tpu.memory_space<vmem_shared>>) target_semaphore(%run_scoped3A : memref<!tpu.dma_semaphore, #tpu.memory_space<semaphore_mem>>)
        %dma_wait3A = arith.constant 9360 : i32
        %dma_wait3A_45 = arith.constant 0 : i32
        %dma_wait3A_46 = tpu.memref_slice %arg8[%dma_wait3A, %dma_wait3A_45] : memref<10000x64xf32, #tpu.memory_space<vmem_shared>> -> memref<640x64xf32, #tpu.memory_space<vmem_shared>>
        %dma_wait3A_47 = arith.constant 9360 : i32
        %dma_wait3A_48 = arith.constant 0 : i32
        %dma_wait3A_49 = tpu.memref_slice %arg5[%dma_wait3A_47, %dma_wait3A_48] : memref<10000x64xf32, #tpu.memory_space<hbm>> -> memref<640x64xf32, #tpu.memory_space<hbm>>
        tpu.wait_dma2 semaphore(%run_scoped3A : memref<!tpu.dma_semaphore, #tpu.memory_space<semaphore_mem>>) src(%dma_wait3A_49 : memref<640x64xf32, #tpu.memory_space<hbm>>) dst(%dma_wait3A_46 : memref<640x64xf32, #tpu.memory_space<vmem_shared>>)
        tpu.yield
      }) : () -> ()
    } else {
    }
    %barrier3A = arith.constant 0 : index
    tpu.barrier barrier_id(%barrier3A)
    %mul3A = arith.constant 19968 : i32
    %mul3A_16 = arith.muli %arg1, %mul3A : i32
    %eq3A_17 = arith.constant 15 : i32
    %eq3A_18 = arith.cmpi eq, %arg1, %eq3A_17 : i32
    %jit3A = arith.constant 160 : i32
    %jit3A_19 = arith.constant 156 : i32
    %select_n3A = arith.select %eq3A_18, %jit3A, %jit3A_19 : i32
    %while3A = arith.constant 0 : i32
    %while3A_20 = arith.constant 0 : i32
    %while3A_21 = arith.subi %select_n3A, %while3A_20 : i32
    %while3A_22 = arith.addi %while3A_20, %while3A_21 : i32
    %while3A_23 = arith.constant 1 : i32
    %while3A_24 = arith.divsi %while3A_21, %while3A_23 : i32
    %while3A_25 = arith.muli %while3A_24, %while3A_23 : i32
    %while3A_26 = arith.addi %while3A_20, %while3A_25 : i32
    %while3A_27 = arith.constant 1 : i32
    scf.for %while3A_40 = %while3A_20 to %while3A_26 step %while3A_27  : i32 {
      %mul3A_41 = arith.constant 128 : i32
      %mul3A_42 = arith.muli %while3A_40, %mul3A_41 : i32
      %add3A = arith.addi %mul3A_16, %mul3A_42 : i32
      "tpu.region"() ({
        %run_scoped3A = tpu.sem_alloc : memref<!tpu.dma_semaphore, #tpu.memory_space<semaphore_mem>>
        %dma_start3A = tpu.memref_slice %arg3[%add3A] : memref<320000xi32, #tpu.memory_space<hbm>> -> memref<128xi32, #tpu.memory_space<hbm>>
        %dma_start3A_43 = tpu.memref_slice %arg3[%add3A] : memref<320000xi32, #tpu.memory_space<hbm>> -> memref<128xi32, #tpu.memory_space<hbm>>
        tpu.enqueue_dma source(%dma_start3A_43 : memref<128xi32, #tpu.memory_space<hbm>>) target(%arg9 : memref<128xi32, #tpu.memory_space<vmem>>) target_semaphore(%run_scoped3A : memref<!tpu.dma_semaphore, #tpu.memory_space<semaphore_mem>>)
        %dma_wait3A = tpu.memref_slice %arg3[%add3A] : memref<320000xi32, #tpu.memory_space<hbm>> -> memref<128xi32, #tpu.memory_space<hbm>>
        %dma_wait3A_44 = tpu.memref_slice %arg3[%add3A] : memref<320000xi32, #tpu.memory_space<hbm>> -> memref<128xi32, #tpu.memory_space<hbm>>
        tpu.wait_dma2 semaphore(%run_scoped3A : memref<!tpu.dma_semaphore, #tpu.memory_space<semaphore_mem>>) src(%dma_wait3A_44 : memref<128xi32, #tpu.memory_space<hbm>>) dst(%arg9 : memref<128xi32, #tpu.memory_space<vmem>>)
        tpu.yield
      }) : () -> ()
      "tpu.region"() ({
        %run_scoped3A = tpu.sem_alloc : memref<!tpu.dma_semaphore, #tpu.memory_space<semaphore_mem>>
        %dma_start3A = tpu.memref_slice %arg4[%add3A] : memref<320000xi32, #tpu.memory_space<hbm>> -> memref<128xi32, #tpu.memory_space<hbm>>
        %dma_start3A_43 = tpu.memref_slice %arg4[%add3A] : memref<320000xi32, #tpu.memory_space<hbm>> -> memref<128xi32, #tpu.memory_space<hbm>>
        tpu.enqueue_dma source(%dma_start3A_43 : memref<128xi32, #tpu.memory_space<hbm>>) target(%arg10 : memref<128xi32, #tpu.memory_space<vmem>>) target_semaphore(%run_scoped3A : memref<!tpu.dma_semaphore, #tpu.memory_space<semaphore_mem>>)
        %dma_wait3A = tpu.memref_slice %arg4[%add3A] : memref<320000xi32, #tpu.memory_space<hbm>> -> memref<128xi32, #tpu.memory_space<hbm>>
        %dma_wait3A_44 = tpu.memref_slice %arg4[%add3A] : memref<320000xi32, #tpu.memory_space<hbm>> -> memref<128xi32, #tpu.memory_space<hbm>>
        tpu.wait_dma2 semaphore(%run_scoped3A : memref<!tpu.dma_semaphore, #tpu.memory_space<semaphore_mem>>) src(%dma_wait3A_44 : memref<128xi32, #tpu.memory_space<hbm>>) dst(%arg10 : memref<128xi32, #tpu.memory_space<vmem>>)
        tpu.yield
      }) : () -> ()
      "tpu.region"() ({
        %run_scoped3A = tpu.sem_alloc : memref<!tpu.dma_semaphore, #tpu.memory_space<semaphore_mem>>
        %dma_start3A = arith.constant 0 : i32
        %dma_start3A_43 = arith.constant 0 : i32
        %dma_start3A_44 = tpu.memref_slice %arg7[%dma_start3A, %dma_start3A_43] : memref<10000x64xf32, #tpu.memory_space<vmem_shared>> -> memref<10000x64xf32, #tpu.memory_space<vmem_shared>>
        tpu.enqueue_indirect_dma source(%dma_start3A_44 : memref<10000x64xf32, #tpu.memory_space<vmem_shared>>) target(%arg11 : memref<128x64xf32, #tpu.memory_space<vmem>>) offsets(%arg9 : memref<128xi32, #tpu.memory_space<vmem>>) semaphore(%run_scoped3A : memref<!tpu.dma_semaphore, #tpu.memory_space<semaphore_mem>>)
        %dma_wait3A = arith.constant 0 : i32
        %dma_wait3A_45 = arith.constant 0 : i32
        %dma_wait3A_46 = tpu.memref_slice %arg7[%dma_wait3A, %dma_wait3A_45] : memref<10000x64xf32, #tpu.memory_space<vmem_shared>> -> memref<10000x64xf32, #tpu.memory_space<vmem_shared>>
        tpu.wait_indirect_dma semaphore(%run_scoped3A : memref<!tpu.dma_semaphore, #tpu.memory_space<semaphore_mem>>) src(%dma_wait3A_46 : memref<10000x64xf32, #tpu.memory_space<vmem_shared>>) dst(%arg11 : memref<128x64xf32, #tpu.memory_space<vmem>>)
        tpu.yield
      }) : () -> ()
      "tpu.region"() ({
        %run_scoped3A = tpu.sem_alloc : memref<!tpu.dma_semaphore, #tpu.memory_space<semaphore_mem>>
        %dma_start3A = arith.constant 0 : i32
        %dma_start3A_43 = arith.constant 0 : i32
        %dma_start3A_44 = tpu.memref_slice %arg8[%dma_start3A, %dma_start3A_43] : memref<10000x64xf32, #tpu.memory_space<vmem_shared>> -> memref<10000x64xf32, #tpu.memory_space<vmem_shared>>
        tpu.enqueue_indirect_dma source(%arg11 : memref<128x64xf32, #tpu.memory_space<vmem>>) target(%dma_start3A_44 : memref<10000x64xf32, #tpu.memory_space<vmem_shared>>) offsets(%arg10 : memref<128xi32, #tpu.memory_space<vmem>>) semaphore(%run_scoped3A : memref<!tpu.dma_semaphore, #tpu.memory_space<semaphore_mem>>) {add = true}
        %dma_wait3A = arith.constant 0 : i32
        %dma_wait3A_45 = arith.constant 0 : i32
        %dma_wait3A_46 = tpu.memref_slice %arg8[%dma_wait3A, %dma_wait3A_45] : memref<10000x64xf32, #tpu.memory_space<vmem_shared>> -> memref<10000x64xf32, #tpu.memory_space<vmem_shared>>
        tpu.wait_indirect_dma semaphore(%run_scoped3A : memref<!tpu.dma_semaphore, #tpu.memory_space<semaphore_mem>>) src(%arg11 : memref<128x64xf32, #tpu.memory_space<vmem>>) dst(%dma_wait3A_46 : memref<10000x64xf32, #tpu.memory_space<vmem_shared>>)
        tpu.yield
      }) : () -> ()
    }
    %while3A_28 = arith.constant 1 : i32
    scf.for %while3A_40 = %while3A_26 to %while3A_22 step %while3A_28  : i32 {
      %mul3A_41 = arith.constant 128 : i32
      %mul3A_42 = arith.muli %while3A_40, %mul3A_41 : i32
      %add3A = arith.addi %mul3A_16, %mul3A_42 : i32
      "tpu.region"() ({
        %run_scoped3A = tpu.sem_alloc : memref<!tpu.dma_semaphore, #tpu.memory_space<semaphore_mem>>
        %dma_start3A = tpu.memref_slice %arg3[%add3A] : memref<320000xi32, #tpu.memory_space<hbm>> -> memref<128xi32, #tpu.memory_space<hbm>>
        %dma_start3A_43 = tpu.memref_slice %arg3[%add3A] : memref<320000xi32, #tpu.memory_space<hbm>> -> memref<128xi32, #tpu.memory_space<hbm>>
        tpu.enqueue_dma source(%dma_start3A_43 : memref<128xi32, #tpu.memory_space<hbm>>) target(%arg9 : memref<128xi32, #tpu.memory_space<vmem>>) target_semaphore(%run_scoped3A : memref<!tpu.dma_semaphore, #tpu.memory_space<semaphore_mem>>)
        %dma_wait3A = tpu.memref_slice %arg3[%add3A] : memref<320000xi32, #tpu.memory_space<hbm>> -> memref<128xi32, #tpu.memory_space<hbm>>
        %dma_wait3A_44 = tpu.memref_slice %arg3[%add3A] : memref<320000xi32, #tpu.memory_space<hbm>> -> memref<128xi32, #tpu.memory_space<hbm>>
        tpu.wait_dma2 semaphore(%run_scoped3A : memref<!tpu.dma_semaphore, #tpu.memory_space<semaphore_mem>>) src(%dma_wait3A_44 : memref<128xi32, #tpu.memory_space<hbm>>) dst(%arg9 : memref<128xi32, #tpu.memory_space<vmem>>)
        tpu.yield
      }) : () -> ()
      "tpu.region"() ({
        %run_scoped3A = tpu.sem_alloc : memref<!tpu.dma_semaphore, #tpu.memory_space<semaphore_mem>>
        %dma_start3A = tpu.memref_slice %arg4[%add3A] : memref<320000xi32, #tpu.memory_space<hbm>> -> memref<128xi32, #tpu.memory_space<hbm>>
        %dma_start3A_43 = tpu.memref_slice %arg4[%add3A] : memref<320000xi32, #tpu.memory_space<hbm>> -> memref<128xi32, #tpu.memory_space<hbm>>
        tpu.enqueue_dma source(%dma_start3A_43 : memref<128xi32, #tpu.memory_space<hbm>>) target(%arg10 : memref<128xi32, #tpu.memory_space<vmem>>) target_semaphore(%run_scoped3A : memref<!tpu.dma_semaphore, #tpu.memory_space<semaphore_mem>>)
        %dma_wait3A = tpu.memref_slice %arg4[%add3A] : memref<320000xi32, #tpu.memory_space<hbm>> -> memref<128xi32, #tpu.memory_space<hbm>>
        %dma_wait3A_44 = tpu.memref_slice %arg4[%add3A] : memref<320000xi32, #tpu.memory_space<hbm>> -> memref<128xi32, #tpu.memory_space<hbm>>
        tpu.wait_dma2 semaphore(%run_scoped3A : memref<!tpu.dma_semaphore, #tpu.memory_space<semaphore_mem>>) src(%dma_wait3A_44 : memref<128xi32, #tpu.memory_space<hbm>>) dst(%arg10 : memref<128xi32, #tpu.memory_space<vmem>>)
        tpu.yield
      }) : () -> ()
      "tpu.region"() ({
        %run_scoped3A = tpu.sem_alloc : memref<!tpu.dma_semaphore, #tpu.memory_space<semaphore_mem>>
        %dma_start3A = arith.constant 0 : i32
        %dma_start3A_43 = arith.constant 0 : i32
        %dma_start3A_44 = tpu.memref_slice %arg7[%dma_start3A, %dma_start3A_43] : memref<10000x64xf32, #tpu.memory_space<vmem_shared>> -> memref<10000x64xf32, #tpu.memory_space<vmem_shared>>
        tpu.enqueue_indirect_dma source(%dma_start3A_44 : memref<10000x64xf32, #tpu.memory_space<vmem_shared>>) target(%arg11 : memref<128x64xf32, #tpu.memory_space<vmem>>) offsets(%arg9 : memref<128xi32, #tpu.memory_space<vmem>>) semaphore(%run_scoped3A : memref<!tpu.dma_semaphore, #tpu.memory_space<semaphore_mem>>)
        %dma_wait3A = arith.constant 0 : i32
        %dma_wait3A_45 = arith.constant 0 : i32
        %dma_wait3A_46 = tpu.memref_slice %arg7[%dma_wait3A, %dma_wait3A_45] : memref<10000x64xf32, #tpu.memory_space<vmem_shared>> -> memref<10000x64xf32, #tpu.memory_space<vmem_shared>>
        tpu.wait_indirect_dma semaphore(%run_scoped3A : memref<!tpu.dma_semaphore, #tpu.memory_space<semaphore_mem>>) src(%dma_wait3A_46 : memref<10000x64xf32, #tpu.memory_space<vmem_shared>>) dst(%arg11 : memref<128x64xf32, #tpu.memory_space<vmem>>)
        tpu.yield
      }) : () -> ()
      "tpu.region"() ({
        %run_scoped3A = tpu.sem_alloc : memref<!tpu.dma_semaphore, #tpu.memory_space<semaphore_mem>>
        %dma_start3A = arith.constant 0 : i32
        %dma_start3A_43 = arith.constant 0 : i32
        %dma_start3A_44 = tpu.memref_slice %arg8[%dma_start3A, %dma_start3A_43] : memref<10000x64xf32, #tpu.memory_space<vmem_shared>> -> memref<10000x64xf32, #tpu.memory_space<vmem_shared>>
        tpu.enqueue_indirect_dma source(%arg11 : memref<128x64xf32, #tpu.memory_space<vmem>>) target(%dma_start3A_44 : memref<10000x64xf32, #tpu.memory_space<vmem_shared>>) offsets(%arg10 : memref<128xi32, #tpu.memory_space<vmem>>) semaphore(%run_scoped3A : memref<!tpu.dma_semaphore, #tpu.memory_space<semaphore_mem>>) {add = true}
        %dma_wait3A = arith.constant 0 : i32
        %dma_wait3A_45 = arith.constant 0 : i32
        %dma_wait3A_46 = tpu.memref_slice %arg8[%dma_wait3A, %dma_wait3A_45] : memref<10000x64xf32, #tpu.memory_space<vmem_shared>> -> memref<10000x64xf32, #tpu.memory_space<vmem_shared>>
        tpu.wait_indirect_dma semaphore(%run_scoped3A : memref<!tpu.dma_semaphore, #tpu.memory_space<semaphore_mem>>) src(%arg11 : memref<128x64xf32, #tpu.memory_space<vmem>>) dst(%dma_wait3A_46 : memref<10000x64xf32, #tpu.memory_space<vmem_shared>>)
        tpu.yield
      }) : () -> ()
    }
    %barrier3A_29 = arith.constant 0 : index
    tpu.barrier barrier_id(%barrier3A_29)
    %lt3A_30 = arith.constant 15 : i32
    %lt3A_31 = arith.cmpi slt, %arg1, %lt3A_30 : i32
    %convert_element_type3A_32 = arith.extui %lt3A_31 : i1 to i32
    %cond3A_33 = arith.constant 0 : i32
    %cond3A_34 = arith.cmpi ne, %convert_element_type3A_32, %cond3A_33 : i32
    scf.if %cond3A_34 {
      %mul3A_40 = arith.constant 624 : i32
      %mul3A_41 = arith.muli %arg1, %mul3A_40 : i32
      %mul3A_42 = arith.constant 624 : i32
      %mul3A_43 = arith.muli %arg1, %mul3A_42 : i32
      "tpu.region"() ({
        %run_scoped3A = tpu.sem_alloc : memref<!tpu.dma_semaphore, #tpu.memory_space<semaphore_mem>>
        %dma_start3A = arith.constant 0 : i32
        %dma_start3A_44 = tpu.memref_slice %arg6[%arg0, %mul3A_43, %dma_start3A] : memref<2x10000x64xf32, #tpu.memory_space<hbm>> -> memref<1x624x64xf32, #tpu.memory_space<hbm>>
        %dma_start3A_45 = tpu.memref_squeeze %dma_start3A_44 : memref<1x624x64xf32, #tpu.memory_space<hbm>> -> memref<624x64xf32, #tpu.memory_space<hbm>>
        %dma_start3A_46 = arith.constant 0 : i32
        %dma_start3A_47 = tpu.memref_slice %arg8[%mul3A_41, %dma_start3A_46] : memref<10000x64xf32, #tpu.memory_space<vmem_shared>> -> memref<624x64xf32, #tpu.memory_space<vmem_shared>>
        tpu.enqueue_dma source(%dma_start3A_47 : memref<624x64xf32, #tpu.memory_space<vmem_shared>>) target(%dma_start3A_45 : memref<624x64xf32, #tpu.memory_space<hbm>>) target_semaphore(%run_scoped3A : memref<!tpu.dma_semaphore, #tpu.memory_space<semaphore_mem>>)
        %dma_wait3A = arith.constant 0 : i32
        %dma_wait3A_48 = tpu.memref_slice %arg6[%arg0, %mul3A_43, %dma_wait3A] : memref<2x10000x64xf32, #tpu.memory_space<hbm>> -> memref<1x624x64xf32, #tpu.memory_space<hbm>>
        %dma_wait3A_49 = tpu.memref_squeeze %dma_wait3A_48 : memref<1x624x64xf32, #tpu.memory_space<hbm>> -> memref<624x64xf32, #tpu.memory_space<hbm>>
        %dma_wait3A_50 = arith.constant 0 : i32
        %dma_wait3A_51 = tpu.memref_slice %arg8[%mul3A_41, %dma_wait3A_50] : memref<10000x64xf32, #tpu.memory_space<vmem_shared>> -> memref<624x64xf32, #tpu.memory_space<vmem_shared>>
        tpu.wait_dma2 semaphore(%run_scoped3A : memref<!tpu.dma_semaphore, #tpu.memory_space<semaphore_mem>>) src(%dma_wait3A_51 : memref<624x64xf32, #tpu.memory_space<vmem_shared>>) dst(%dma_wait3A_49 : memref<624x64xf32, #tpu.memory_space<hbm>>)
        tpu.yield
      }) : () -> ()
    } else {
    }
    %eq3A_35 = arith.constant 15 : i32
    %eq3A_36 = arith.cmpi eq, %arg1, %eq3A_35 : i32
    %convert_element_type3A_37 = arith.extui %eq3A_36 : i1 to i32
    %cond3A_38 = arith.constant 0 : i32
    %cond3A_39 = arith.cmpi ne, %convert_element_type3A_37, %cond3A_38 : i32
    scf.if %cond3A_39 {
      "tpu.region"() ({
        %run_scoped3A = tpu.sem_alloc : memref<!tpu.dma_semaphore, #tpu.memory_space<semaphore_mem>>
        %dma_start3A = arith.constant 9360 : i32
        %dma_start3A_40 = arith.constant 0 : i32
        %dma_start3A_41 = tpu.memref_slice %arg6[%arg0, %dma_start3A, %dma_start3A_40] : memref<2x10000x64xf32, #tpu.memory_space<hbm>> -> memref<1x640x64xf32, #tpu.memory_space<hbm>>
        %dma_start3A_42 = tpu.memref_squeeze %dma_start3A_41 : memref<1x640x64xf32, #tpu.memory_space<hbm>> -> memref<640x64xf32, #tpu.memory_space<hbm>>
        %dma_start3A_43 = arith.constant 9360 : i32
        %dma_start3A_44 = arith.constant 0 : i32
        %dma_start3A_45 = tpu.memref_slice %arg8[%dma_start3A_43, %dma_start3A_44] : memref<10000x64xf32, #tpu.memory_space<vmem_shared>> -> memref<640x64xf32, #tpu.memory_space<vmem_shared>>
        tpu.enqueue_dma source(%dma_start3A_45 : memref<640x64xf32, #tpu.memory_space<vmem_shared>>) target(%dma_start3A_42 : memref<640x64xf32, #tpu.memory_space<hbm>>) target_semaphore(%run_scoped3A : memref<!tpu.dma_semaphore, #tpu.memory_space<semaphore_mem>>)
        %dma_wait3A = arith.constant 9360 : i32
        %dma_wait3A_46 = arith.constant 0 : i32
        %dma_wait3A_47 = tpu.memref_slice %arg6[%arg0, %dma_wait3A, %dma_wait3A_46] : memref<2x10000x64xf32, #tpu.memory_space<hbm>> -> memref<1x640x64xf32, #tpu.memory_space<hbm>>
        %dma_wait3A_48 = tpu.memref_squeeze %dma_wait3A_47 : memref<1x640x64xf32, #tpu.memory_space<hbm>> -> memref<640x64xf32, #tpu.memory_space<hbm>>
        %dma_wait3A_49 = arith.constant 9360 : i32
        %dma_wait3A_50 = arith.constant 0 : i32
        %dma_wait3A_51 = tpu.memref_slice %arg8[%dma_wait3A_49, %dma_wait3A_50] : memref<10000x64xf32, #tpu.memory_space<vmem_shared>> -> memref<640x64xf32, #tpu.memory_space<vmem_shared>>
        tpu.wait_dma2 semaphore(%run_scoped3A : memref<!tpu.dma_semaphore, #tpu.memory_space<semaphore_mem>>) src(%dma_wait3A_51 : memref<640x64xf32, #tpu.memory_space<vmem_shared>>) dst(%dma_wait3A_48 : memref<640x64xf32, #tpu.memory_space<hbm>>)
        tpu.yield
      }) : () -> ()
    } else {
    }
    return
  }
}

module attributes {stable_mosaic.version = 14 : i64} {
  func.func @_a_body(%arg0: i32, %arg1: memref<1000x128xf32, #tpu.memory_space<vmem>>, %arg2: memref<128x128xf32, #tpu.memory_space<vmem>>, %arg3: memref<1x128xf32, #tpu.memory_space<vmem>>, %arg4: memref<1000x128xf32, #tpu.memory_space<vmem>>, %arg5: memref<2x1000x64xf32, #tpu.memory_space<vmem>>) attributes {dimension_semantics = [#tpu.dimension_semantics<arbitrary>], iteration_bounds = array<i64: 10>, scalar_prefetch = 0 : i64, scratch_operands = 0 : i64, tpu.core_type = #tpu.core_type<tc>, window_params = [{transform_indices = @transform_0, window_bounds = array<i64: 1000, 128>}, {pipeline_mode = #tpu.pipeline_mode<synchronous>, transform_indices = @transform_1, window_bounds = array<i64: 128, 128>}, {pipeline_mode = #tpu.pipeline_mode<synchronous>, transform_indices = @transform_2, window_bounds = array<i64: 1, 128>}, {transform_indices = @transform_3, window_bounds = array<i64: 1000, 128>}, {transform_indices = @transform_4, window_bounds = array<i64: 2, 1000, 64>}]} {
    %get3A = arith.constant 0 : index
    %get3A_0 = arith.constant 0 : index
    %get3A_1 = vector.load %arg1[%get3A, %get3A_0] : memref<1000x128xf32, #tpu.memory_space<vmem>>, vector<1000x128xf32>
    %get3A_2 = arith.constant 0 : index
    %get3A_3 = arith.constant 0 : index
    %get3A_4 = vector.load %arg2[%get3A_2, %get3A_3] : memref<128x128xf32, #tpu.memory_space<vmem>>, vector<128x128xf32>
    %dot_general3A = arith.constant dense<0.000000e+00> : vector<1000x128xf32>
    %dot_general3A_5 = tpu.matmul %get3A_1, %get3A_4, %dot_general3A {dimension_numbers = #tpu.dot_dimension_numbers<[1], [0], [0], [1], [0, 0, 1, 1], [], []>, transpose_lhs_hint = false} : vector<1000x128xf32>, vector<128x128xf32>, vector<1000x128xf32> -> vector<1000x128xf32>
    %get3A_6 = arith.constant 0 : index
    %get3A_7 = arith.constant 0 : index
    %get3A_8 = vector.load %arg3[%get3A_6, %get3A_7] : memref<1x128xf32, #tpu.memory_space<vmem>>, vector<1x128xf32>
    %add3A = vector.broadcast %get3A_8 : vector<1x128xf32> to vector<1000x128xf32>
    %add3A_9 = arith.addf %dot_general3A_5, %add3A : vector<1000x128xf32>
    %swap3A = arith.constant 0 : index
    %swap3A_10 = arith.constant 0 : index
    %swap3A_11 = vector.load %arg4[%swap3A, %swap3A_10] : memref<1000x128xf32, #tpu.memory_space<vmem>>, vector<1000x128xf32>
    tpu.vector_store %arg4[%swap3A, %swap3A_10], %add3A_9 {strides = array<i32>} : memref<1000x128xf32, #tpu.memory_space<vmem>>, vector<1000x128xf32>,
    %slice3A = vector.extract_strided_slice %add3A_9 {offsets = [0, 0], sizes = [1000, 64], strides = [1, 1]} : vector<1000x128xf32> to vector<1000x64xf32>
    %swap3A_12 = arith.constant 0 : index
    %swap3A_13 = arith.constant 0 : index
    %swap3A_14 = arith.constant 0 : index
    %swap3A_15 = vector.load %arg5[%swap3A_12, %swap3A_13, %swap3A_14] : memref<2x1000x64xf32, #tpu.memory_space<vmem>>, vector<1x1000x64xf32>
    %swap3A_16 = vector.shape_cast %swap3A_15 : vector<1x1000x64xf32> to vector<1000x64xf32>
    %swap3A_17 = vector.shape_cast %slice3A : vector<1000x64xf32> to vector<1x1000x64xf32>
    tpu.vector_store %arg5[%swap3A_12, %swap3A_13, %swap3A_14], %swap3A_17 {strides = array<i32>} : memref<2x1000x64xf32, #tpu.memory_space<vmem>>, vector<1x1000x64xf32>,
    %slice3A_18 = vector.extract_strided_slice %add3A_9 {offsets = [0, 64], sizes = [1000, 64], strides = [1, 1]} : vector<1000x128xf32> to vector<1000x64xf32>
    %swap3A_19 = arith.constant 1 : index
    %swap3A_20 = arith.constant 0 : index
    %swap3A_21 = arith.constant 0 : index
    %swap3A_22 = vector.load %arg5[%swap3A_19, %swap3A_20, %swap3A_21] : memref<2x1000x64xf32, #tpu.memory_space<vmem>>, vector<1x1000x64xf32>
    %swap3A_23 = vector.shape_cast %swap3A_22 : vector<1x1000x64xf32> to vector<1000x64xf32>
    %swap3A_24 = vector.shape_cast %slice3A_18 : vector<1000x64xf32> to vector<1x1000x64xf32>
    tpu.vector_store %arg5[%swap3A_19, %swap3A_20, %swap3A_21], %swap3A_24 {strides = array<i32>} : memref<2x1000x64xf32, #tpu.memory_space<vmem>>, vector<1x1000x64xf32>,
    return
  }
  func.func @transform_0(%arg0: i32) -> (i32, i32) {
    %c0_i32 = arith.constant 0 : i32
    %c0_i32_0 = arith.constant 0 : i32
    return %arg0, %c0_i32 : i32, i32
  }
  func.func @transform_1(%arg0: i32) -> (i32, i32) {
    %c0_i32 = arith.constant 0 : i32
    %c0_i32_0 = arith.constant 0 : i32
    %c0_i32_1 = arith.constant 0 : i32
    return %c0_i32, %c0_i32_0 : i32, i32
  }
  func.func @transform_2(%arg0: i32) -> (i32, i32) {
    %c0_i32 = arith.constant 0 : i32
    %c0_i32_0 = arith.constant 0 : i32
    %c0_i32_1 = arith.constant 0 : i32
    return %c0_i32, %c0_i32_0 : i32, i32
  }
  func.func @transform_3(%arg0: i32) -> (i32, i32) {
    %c0_i32 = arith.constant 0 : i32
    %c0_i32_0 = arith.constant 0 : i32
    return %arg0, %c0_i32 : i32, i32
  }
  func.func @transform_4(%arg0: i32) -> (i32, i32, i32) {
    %c0_i32 = arith.constant 0 : i32
    %c0_i32_0 = arith.constant 0 : i32
    %c0_i32_1 = arith.constant 0 : i32
    return %c0_i32, %arg0, %c0_i32_0 : i32, i32, i32
  }
}

module attributes {stable_mosaic.version = 14 : i64} {
  func.func @_b_body(%arg0: i32, %arg1: memref<2x1000x64xf32, #tpu.memory_space<vmem>>, %arg2: memref<1000x1xf32, #tpu.memory_space<vmem>>, %arg3: memref<128x128xf32, #tpu.memory_space<vmem>>, %arg4: memref<1x128xf32, #tpu.memory_space<vmem>>, %arg5: memref<1x128xf32, #tpu.memory_space<vmem>>, %arg6: memref<1x128xf32, #tpu.memory_space<vmem>>, %arg7: memref<1000x128xf32, #tpu.memory_space<vmem>>, %arg8: memref<2x1000x64xf32, #tpu.memory_space<vmem>>) attributes {dimension_semantics = [#tpu.dimension_semantics<arbitrary>], iteration_bounds = array<i64: 10>, scalar_prefetch = 0 : i64, scratch_operands = 0 : i64, tpu.core_type = #tpu.core_type<tc>, window_params = [{transform_indices = @transform_0, window_bounds = array<i64: 2, 1000, 64>}, {transform_indices = @transform_1, window_bounds = array<i64: 1000, 1>}, {pipeline_mode = #tpu.pipeline_mode<synchronous>, transform_indices = @transform_2, window_bounds = array<i64: 128, 128>}, {pipeline_mode = #tpu.pipeline_mode<synchronous>, transform_indices = @transform_3, window_bounds = array<i64: 1, 128>}, {pipeline_mode = #tpu.pipeline_mode<synchronous>, transform_indices = @transform_4, window_bounds = array<i64: 1, 128>}, {pipeline_mode = #tpu.pipeline_mode<synchronous>, transform_indices = @transform_5, window_bounds = array<i64: 1, 128>}, {transform_indices = @transform_6, window_bounds = array<i64: 1000, 128>}, {transform_indices = @transform_7, window_bounds = array<i64: 2, 1000, 64>}]} {
    %get3A = arith.constant 0 : index
    %get3A_0 = arith.constant 0 : index
    %get3A_1 = arith.constant 0 : index
    %get3A_2 = vector.load %arg1[%get3A, %get3A_0, %get3A_1] : memref<2x1000x64xf32, #tpu.memory_space<vmem>>, vector<1x1000x64xf32>
    %get3A_3 = vector.shape_cast %get3A_2 : vector<1x1000x64xf32> to vector<1000x64xf32>
    %get3A_4 = arith.constant 1 : index
    %get3A_5 = arith.constant 0 : index
    %get3A_6 = arith.constant 0 : index
    %get3A_7 = vector.load %arg1[%get3A_4, %get3A_5, %get3A_6] : memref<2x1000x64xf32, #tpu.memory_space<vmem>>, vector<1x1000x64xf32>
    %get3A_8 = vector.shape_cast %get3A_7 : vector<1x1000x64xf32> to vector<1000x64xf32>
    %get3A_9 = arith.constant 0 : index
    %get3A_10 = arith.constant 0 : index
    %get3A_11 = vector.load %arg2[%get3A_9, %get3A_10] : memref<1000x1xf32, #tpu.memory_space<vmem>>, vector<1000x1xf32>
    %get3A_12 = arith.constant 0 : index
    %get3A_13 = arith.constant 0 : index
    %get3A_14 = vector.load %arg3[%get3A_12, %get3A_13] : memref<128x128xf32, #tpu.memory_space<vmem>>, vector<128x128xf32>
    %get3A_15 = arith.constant 0 : index
    %get3A_16 = arith.constant 0 : index
    %get3A_17 = vector.load %arg4[%get3A_15, %get3A_16] : memref<1x128xf32, #tpu.memory_space<vmem>>, vector<1x128xf32>
    %get3A_18 = arith.constant 0 : index
    %get3A_19 = arith.constant 0 : index
    %get3A_20 = vector.load %arg5[%get3A_18, %get3A_19] : memref<1x128xf32, #tpu.memory_space<vmem>>, vector<1x128xf32>
    %get3A_21 = arith.constant 0 : index
    %get3A_22 = arith.constant 0 : index
    %get3A_23 = vector.load %arg6[%get3A_21, %get3A_22] : memref<1x128xf32, #tpu.memory_space<vmem>>, vector<1x128xf32>
    %concatenate3A = tpu.concatenate %get3A_3, %get3A_8 in 1 : vector<1000x64xf32>, vector<1000x64xf32> -> vector<1000x128xf32>
    %max3A = arith.constant 1.000000e+00 : f32
    %max3A_24 = vector.broadcast %max3A : f32 to vector<1000x1xf32>
    %max3A_25 = arith.maximumf %get3A_11, %max3A_24 : vector<1000x1xf32>
    %div3A = vector.broadcast %max3A_25 : vector<1000x1xf32> to vector<1000x128xf32>
    %div3A_26 = arith.divf %concatenate3A, %div3A : vector<1000x128xf32>
    %dot_general3A = arith.constant dense<0.000000e+00> : vector<1000x128xf32>
    %dot_general3A_27 = tpu.matmul %div3A_26, %get3A_14, %dot_general3A {dimension_numbers = #tpu.dot_dimension_numbers<[1], [0], [0], [1], [0, 0, 1, 1], [], []>, transpose_lhs_hint = false} : vector<1000x128xf32>, vector<128x128xf32>, vector<1000x128xf32> -> vector<1000x128xf32>
    %add3A = vector.broadcast %get3A_17 : vector<1x128xf32> to vector<1000x128xf32>
    %add3A_28 = arith.addf %dot_general3A_27, %add3A : vector<1000x128xf32>
    %ge3A = arith.constant 0.000000e+00 : f32
    %ge3A_29 = vector.broadcast %ge3A : f32 to vector<1000x128xf32>
    %ge3A_30 = arith.cmpf oge, %add3A_28, %ge3A_29 : vector<1000x128xf32>
    %mul3A = arith.constant 1.000000e-01 : f32
    %mul3A_31 = vector.broadcast %mul3A : f32 to vector<1000x128xf32>
    %mul3A_32 = arith.mulf %mul3A_31, %add3A_28 : vector<1000x128xf32>
    %select_n3A = arith.select %ge3A_30, %add3A_28, %mul3A_32 : vector<1000x128xi1>, vector<1000x128xf32>
    %reduce_sum3A = arith.constant dense<0.000000e+00> : vector<1000xf32>
    %reduce_sum3A_33 = vector.multi_reduction <add>, %select_n3A, %reduce_sum3A [1] : vector<1000x128xf32> to vector<1000xf32>
    %broadcast_in_dim3A = vector.shape_cast %reduce_sum3A_33 : vector<1000xf32> to vector<1000x1xf32>
    %div3A_34 = arith.constant 1.280000e+02 : f32
    %div3A_35 = vector.broadcast %div3A_34 : f32 to vector<1000x1xf32>
    %div3A_36 = arith.divf %broadcast_in_dim3A, %div3A_35 : vector<1000x1xf32>
    %sub3A = vector.broadcast %div3A_36 : vector<1000x1xf32> to vector<1000x128xf32>
    %sub3A_37 = arith.subf %select_n3A, %sub3A : vector<1000x128xf32>
    %integer_pow3A = arith.mulf %sub3A_37, %sub3A_37 : vector<1000x128xf32>
    %reduce_sum3A_38 = arith.constant dense<0.000000e+00> : vector<1000xf32>
    %reduce_sum3A_39 = vector.multi_reduction <add>, %integer_pow3A, %reduce_sum3A_38 [1] : vector<1000x128xf32> to vector<1000xf32>
    %broadcast_in_dim3A_40 = vector.shape_cast %reduce_sum3A_39 : vector<1000xf32> to vector<1000x1xf32>
    %div3A_41 = arith.constant 1.280000e+02 : f32
    %div3A_42 = vector.broadcast %div3A_41 : f32 to vector<1000x1xf32>
    %div3A_43 = arith.divf %broadcast_in_dim3A_40, %div3A_42 : vector<1000x1xf32>
    %sub3A_44 = vector.broadcast %div3A_36 : vector<1000x1xf32> to vector<1000x128xf32>
    %sub3A_45 = arith.subf %select_n3A, %sub3A_44 : vector<1000x128xf32>
    %add3A_46 = arith.constant 9.99999974E-6 : f32
    %add3A_47 = vector.broadcast %add3A_46 : f32 to vector<1000x1xf32>
    %add3A_48 = arith.addf %div3A_43, %add3A_47 : vector<1000x1xf32>
    %rsqrt3A = math.rsqrt %add3A_48 : vector<1000x1xf32>
    %mul3A_49 = vector.broadcast %rsqrt3A : vector<1000x1xf32> to vector<1000x128xf32>
    %mul3A_50 = arith.mulf %sub3A_45, %mul3A_49 : vector<1000x128xf32>
    %mul3A_51 = vector.broadcast %get3A_20 : vector<1x128xf32> to vector<1000x128xf32>
    %mul3A_52 = arith.mulf %mul3A_50, %mul3A_51 : vector<1000x128xf32>
    %add3A_53 = vector.broadcast %get3A_23 : vector<1x128xf32> to vector<1000x128xf32>
    %add3A_54 = arith.addf %mul3A_52, %add3A_53 : vector<1000x128xf32>
    %swap3A = arith.constant 0 : index
    %swap3A_55 = arith.constant 0 : index
    %swap3A_56 = vector.load %arg7[%swap3A, %swap3A_55] : memref<1000x128xf32, #tpu.memory_space<vmem>>, vector<1000x128xf32>
    tpu.vector_store %arg7[%swap3A, %swap3A_55], %add3A_54 {strides = array<i32>} : memref<1000x128xf32, #tpu.memory_space<vmem>>, vector<1000x128xf32>,
    %slice3A = vector.extract_strided_slice %add3A_54 {offsets = [0, 0], sizes = [1000, 64], strides = [1, 1]} : vector<1000x128xf32> to vector<1000x64xf32>
    %swap3A_57 = arith.constant 0 : index
    %swap3A_58 = arith.constant 0 : index
    %swap3A_59 = arith.constant 0 : index
    %swap3A_60 = vector.load %arg8[%swap3A_57, %swap3A_58, %swap3A_59] : memref<2x1000x64xf32, #tpu.memory_space<vmem>>, vector<1x1000x64xf32>
    %swap3A_61 = vector.shape_cast %swap3A_60 : vector<1x1000x64xf32> to vector<1000x64xf32>
    %swap3A_62 = vector.shape_cast %slice3A : vector<1000x64xf32> to vector<1x1000x64xf32>
    tpu.vector_store %arg8[%swap3A_57, %swap3A_58, %swap3A_59], %swap3A_62 {strides = array<i32>} : memref<2x1000x64xf32, #tpu.memory_space<vmem>>, vector<1x1000x64xf32>,
    %slice3A_63 = vector.extract_strided_slice %add3A_54 {offsets = [0, 64], sizes = [1000, 64], strides = [1, 1]} : vector<1000x128xf32> to vector<1000x64xf32>
    %swap3A_64 = arith.constant 1 : index
    %swap3A_65 = arith.constant 0 : index
    %swap3A_66 = arith.constant 0 : index
    %swap3A_67 = vector.load %arg8[%swap3A_64, %swap3A_65, %swap3A_66] : memref<2x1000x64xf32, #tpu.memory_space<vmem>>, vector<1x1000x64xf32>
    %swap3A_68 = vector.shape_cast %swap3A_67 : vector<1x1000x64xf32> to vector<1000x64xf32>
    %swap3A_69 = vector.shape_cast %slice3A_63 : vector<1000x64xf32> to vector<1x1000x64xf32>
    tpu.vector_store %arg8[%swap3A_64, %swap3A_65, %swap3A_66], %swap3A_69 {strides = array<i32>} : memref<2x1000x64xf32, #tpu.memory_space<vmem>>, vector<1x1000x64xf32>,
    return
  }
  func.func @transform_0(%arg0: i32) -> (i32, i32, i32) {
    %c0_i32 = arith.constant 0 : i32
    %c0_i32_0 = arith.constant 0 : i32
    %c0_i32_1 = arith.constant 0 : i32
    return %c0_i32, %arg0, %c0_i32_0 : i32, i32, i32
  }
  func.func @transform_1(%arg0: i32) -> (i32, i32) {
    %c0_i32 = arith.constant 0 : i32
    %c0_i32_0 = arith.constant 0 : i32
    return %arg0, %c0_i32 : i32, i32
  }
  func.func @transform_2(%arg0: i32) -> (i32, i32) {
    %c0_i32 = arith.constant 0 : i32
    %c0_i32_0 = arith.constant 0 : i32
    %c0_i32_1 = arith.constant 0 : i32
    return %c0_i32, %c0_i32_0 : i32, i32
  }
  func.func @transform_3(%arg0: i32) -> (i32, i32) {
    %c0_i32 = arith.constant 0 : i32
    %c0_i32_0 = arith.constant 0 : i32
    %c0_i32_1 = arith.constant 0 : i32
    return %c0_i32, %c0_i32_0 : i32, i32
  }
  func.func @transform_4(%arg0: i32) -> (i32, i32) {
    %c0_i32 = arith.constant 0 : i32
    %c0_i32_0 = arith.constant 0 : i32
    %c0_i32_1 = arith.constant 0 : i32
    return %c0_i32, %c0_i32_0 : i32, i32
  }
  func.func @transform_5(%arg0: i32) -> (i32, i32) {
    %c0_i32 = arith.constant 0 : i32
    %c0_i32_0 = arith.constant 0 : i32
    %c0_i32_1 = arith.constant 0 : i32
    return %c0_i32, %c0_i32_0 : i32, i32
  }
  func.func @transform_6(%arg0: i32) -> (i32, i32) {
    %c0_i32 = arith.constant 0 : i32
    %c0_i32_0 = arith.constant 0 : i32
    return %arg0, %c0_i32 : i32, i32
  }
  func.func @transform_7(%arg0: i32) -> (i32, i32, i32) {
    %c0_i32 = arith.constant 0 : i32
    %c0_i32_0 = arith.constant 0 : i32
    %c0_i32_1 = arith.constant 0 : i32
    return %c0_i32, %arg0, %c0_i32_0 : i32, i32, i32
  }
}

module attributes {stable_mosaic.version = 14 : i64} {
  func.func @_c_body(%arg0: i32, %arg1: memref<2x1000x64xf32, #tpu.memory_space<vmem>>, %arg2: memref<1000x1xf32, #tpu.memory_space<vmem>>, %arg3: memref<1000x128xf32, #tpu.memory_space<vmem>>, %arg4: memref<1000x128xf32, #tpu.memory_space<vmem>>, %arg5: memref<128x128xf32, #tpu.memory_space<vmem>>, %arg6: memref<1x128xf32, #tpu.memory_space<vmem>>, %arg7: memref<1x128xf32, #tpu.memory_space<vmem>>, %arg8: memref<1x128xf32, #tpu.memory_space<vmem>>, %arg9: memref<128x128xf32, #tpu.memory_space<vmem>>, %arg10: memref<128x4xf32, #tpu.memory_space<vmem>>, %arg11: memref<128x128xf32, #tpu.memory_space<vmem>>, %arg12: memref<128x4xf32, #tpu.memory_space<vmem>>, %arg13: memref<128x1xf32, #tpu.memory_space<vmem>>, %arg14: memref<1x1xf32, #tpu.memory_space<vmem>>, %arg15: memref<1x1xf32, #tpu.memory_space<vmem>>, %arg16: memref<10000x128xf32, #tpu.memory_space<vmem>>, %arg17: memref<10000x128xf32, #tpu.memory_space<vmem>>, %arg18: memref<10000x8xf32, #tpu.memory_space<vmem>>) attributes {dimension_semantics = [#tpu.dimension_semantics<arbitrary>], iteration_bounds = array<i64: 11>, scalar_prefetch = 0 : i64, scratch_operands = 3 : i64, tpu.core_type = #tpu.core_type<tc>, window_params = [{transform_indices = @transform_0, window_bounds = array<i64: 2, 1000, 64>}, {transform_indices = @transform_1, window_bounds = array<i64: 1000, 1>}, {transform_indices = @transform_2, window_bounds = array<i64: 1000, 128>}, {transform_indices = @transform_3, window_bounds = array<i64: 1000, 128>}, {pipeline_mode = #tpu.pipeline_mode<synchronous>, transform_indices = @transform_4, window_bounds = array<i64: 128, 128>}, {pipeline_mode = #tpu.pipeline_mode<synchronous>, transform_indices = @transform_5, window_bounds = array<i64: 1, 128>}, {pipeline_mode = #tpu.pipeline_mode<synchronous>, transform_indices = @transform_6, window_bounds = array<i64: 1, 128>}, {pipeline_mode = #tpu.pipeline_mode<synchronous>, transform_indices = @transform_7, window_bounds = array<i64: 1, 128>}, {pipeline_mode = #tpu.pipeline_mode<synchronous>, transform_indices = @transform_8, window_bounds = array<i64: 128, 128>}, {pipeline_mode = #tpu.pipeline_mode<synchronous>, transform_indices = @transform_9, window_bounds = array<i64: 128, 4>}, {pipeline_mode = #tpu.pipeline_mode<synchronous>, transform_indices = @transform_10, window_bounds = array<i64: 128, 128>}, {pipeline_mode = #tpu.pipeline_mode<synchronous>, transform_indices = @transform_11, window_bounds = array<i64: 128, 4>}, {pipeline_mode = #tpu.pipeline_mode<synchronous>, transform_indices = @transform_12, window_bounds = array<i64: 128, 1>}, {pipeline_mode = #tpu.pipeline_mode<synchronous>, transform_indices = @transform_13, window_bounds = array<i64: 1, 1>}, {pipeline_mode = #tpu.pipeline_mode<synchronous>, transform_indices = @transform_14, window_bounds = array<i64: 1, 1>}]} {
    %lt3A = arith.constant 10 : i32
    %lt3A_0 = arith.cmpi slt, %arg0, %lt3A : i32
    %convert_element_type3A = arith.extui %lt3A_0 : i1 to i32
    %cond3A = arith.constant 0 : i32
    %cond3A_1 = arith.cmpi ne, %convert_element_type3A, %cond3A : i32
    scf.if %cond3A_1 {
      %get3A = arith.constant 0 : index
      %get3A_6 = arith.constant 0 : index
      %get3A_7 = arith.constant 0 : index
      %get3A_8 = vector.load %arg1[%get3A, %get3A_6, %get3A_7] : memref<2x1000x64xf32, #tpu.memory_space<vmem>>, vector<1x1000x64xf32>
      %get3A_9 = vector.shape_cast %get3A_8 : vector<1x1000x64xf32> to vector<1000x64xf32>
      %get3A_10 = arith.constant 1 : index
      %get3A_11 = arith.constant 0 : index
      %get3A_12 = arith.constant 0 : index
      %get3A_13 = vector.load %arg1[%get3A_10, %get3A_11, %get3A_12] : memref<2x1000x64xf32, #tpu.memory_space<vmem>>, vector<1x1000x64xf32>
      %get3A_14 = vector.shape_cast %get3A_13 : vector<1x1000x64xf32> to vector<1000x64xf32>
      %get3A_15 = arith.constant 0 : index
      %get3A_16 = arith.constant 0 : index
      %get3A_17 = vector.load %arg2[%get3A_15, %get3A_16] : memref<1000x1xf32, #tpu.memory_space<vmem>>, vector<1000x1xf32>
      %get3A_18 = arith.constant 0 : index
      %get3A_19 = arith.constant 0 : index
      %get3A_20 = vector.load %arg5[%get3A_18, %get3A_19] : memref<128x128xf32, #tpu.memory_space<vmem>>, vector<128x128xf32>
      %get3A_21 = arith.constant 0 : index
      %get3A_22 = arith.constant 0 : index
      %get3A_23 = vector.load %arg6[%get3A_21, %get3A_22] : memref<1x128xf32, #tpu.memory_space<vmem>>, vector<1x128xf32>
      %get3A_24 = arith.constant 0 : index
      %get3A_25 = arith.constant 0 : index
      %get3A_26 = vector.load %arg7[%get3A_24, %get3A_25] : memref<1x128xf32, #tpu.memory_space<vmem>>, vector<1x128xf32>
      %get3A_27 = arith.constant 0 : index
      %get3A_28 = arith.constant 0 : index
      %get3A_29 = vector.load %arg8[%get3A_27, %get3A_28] : memref<1x128xf32, #tpu.memory_space<vmem>>, vector<1x128xf32>
      %concatenate3A = tpu.concatenate %get3A_9, %get3A_14 in 1 : vector<1000x64xf32>, vector<1000x64xf32> -> vector<1000x128xf32>
      %max3A = arith.constant 1.000000e+00 : f32
      %max3A_30 = vector.broadcast %max3A : f32 to vector<1000x1xf32>
      %max3A_31 = arith.maximumf %get3A_17, %max3A_30 : vector<1000x1xf32>
      %div3A = vector.broadcast %max3A_31 : vector<1000x1xf32> to vector<1000x128xf32>
      %div3A_32 = arith.divf %concatenate3A, %div3A : vector<1000x128xf32>
      %dot_general3A = arith.constant dense<0.000000e+00> : vector<1000x128xf32>
      %dot_general3A_33 = tpu.matmul %div3A_32, %get3A_20, %dot_general3A {dimension_numbers = #tpu.dot_dimension_numbers<[1], [0], [0], [1], [0, 0, 1, 1], [], []>, transpose_lhs_hint = false} : vector<1000x128xf32>, vector<128x128xf32>, vector<1000x128xf32> -> vector<1000x128xf32>
      %add3A = vector.broadcast %get3A_23 : vector<1x128xf32> to vector<1000x128xf32>
      %add3A_34 = arith.addf %dot_general3A_33, %add3A : vector<1000x128xf32>
      %ge3A = arith.constant 0.000000e+00 : f32
      %ge3A_35 = vector.broadcast %ge3A : f32 to vector<1000x128xf32>
      %ge3A_36 = arith.cmpf oge, %add3A_34, %ge3A_35 : vector<1000x128xf32>
      %mul3A = arith.constant 1.000000e-01 : f32
      %mul3A_37 = vector.broadcast %mul3A : f32 to vector<1000x128xf32>
      %mul3A_38 = arith.mulf %mul3A_37, %add3A_34 : vector<1000x128xf32>
      %select_n3A = arith.select %ge3A_36, %add3A_34, %mul3A_38 : vector<1000x128xi1>, vector<1000x128xf32>
      %reduce_sum3A = arith.constant dense<0.000000e+00> : vector<1000xf32>
      %reduce_sum3A_39 = vector.multi_reduction <add>, %select_n3A, %reduce_sum3A [1] : vector<1000x128xf32> to vector<1000xf32>
      %broadcast_in_dim3A = vector.shape_cast %reduce_sum3A_39 : vector<1000xf32> to vector<1000x1xf32>
      %div3A_40 = arith.constant 1.280000e+02 : f32
      %div3A_41 = vector.broadcast %div3A_40 : f32 to vector<1000x1xf32>
      %div3A_42 = arith.divf %broadcast_in_dim3A, %div3A_41 : vector<1000x1xf32>
      %sub3A = vector.broadcast %div3A_42 : vector<1000x1xf32> to vector<1000x128xf32>
      %sub3A_43 = arith.subf %select_n3A, %sub3A : vector<1000x128xf32>
      %integer_pow3A = arith.mulf %sub3A_43, %sub3A_43 : vector<1000x128xf32>
      %reduce_sum3A_44 = arith.constant dense<0.000000e+00> : vector<1000xf32>
      %reduce_sum3A_45 = vector.multi_reduction <add>, %integer_pow3A, %reduce_sum3A_44 [1] : vector<1000x128xf32> to vector<1000xf32>
      %broadcast_in_dim3A_46 = vector.shape_cast %reduce_sum3A_45 : vector<1000xf32> to vector<1000x1xf32>
      %div3A_47 = arith.constant 1.280000e+02 : f32
      %div3A_48 = vector.broadcast %div3A_47 : f32 to vector<1000x1xf32>
      %div3A_49 = arith.divf %broadcast_in_dim3A_46, %div3A_48 : vector<1000x1xf32>
      %sub3A_50 = vector.broadcast %div3A_42 : vector<1000x1xf32> to vector<1000x128xf32>
      %sub3A_51 = arith.subf %select_n3A, %sub3A_50 : vector<1000x128xf32>
      %add3A_52 = arith.constant 9.99999974E-6 : f32
      %add3A_53 = vector.broadcast %add3A_52 : f32 to vector<1000x1xf32>
      %add3A_54 = arith.addf %div3A_49, %add3A_53 : vector<1000x1xf32>
      %rsqrt3A = math.rsqrt %add3A_54 : vector<1000x1xf32>
      %mul3A_55 = vector.broadcast %rsqrt3A : vector<1000x1xf32> to vector<1000x128xf32>
      %mul3A_56 = arith.mulf %sub3A_51, %mul3A_55 : vector<1000x128xf32>
      %mul3A_57 = vector.broadcast %get3A_26 : vector<1x128xf32> to vector<1000x128xf32>
      %mul3A_58 = arith.mulf %mul3A_56, %mul3A_57 : vector<1000x128xf32>
      %add3A_59 = vector.broadcast %get3A_29 : vector<1x128xf32> to vector<1000x128xf32>
      %add3A_60 = arith.addf %mul3A_58, %add3A_59 : vector<1000x128xf32>
      %get3A_61 = arith.constant 0 : index
      %get3A_62 = arith.constant 0 : index
      %get3A_63 = vector.load %arg3[%get3A_61, %get3A_62] : memref<1000x128xf32, #tpu.memory_space<vmem>>, vector<1000x128xf32>
      %add3A_64 = arith.addf %get3A_63, %add3A_60 : vector<1000x128xf32>
      %get3A_65 = arith.constant 0 : index
      %get3A_66 = arith.constant 0 : index
      %get3A_67 = vector.load %arg4[%get3A_65, %get3A_66] : memref<1000x128xf32, #tpu.memory_space<vmem>>, vector<1000x128xf32>
      %mul3A_68 = arith.constant 1000 : i32
      %mul3A_69 = arith.muli %arg0, %mul3A_68 : i32
      %swap3A = arith.index_cast %mul3A_69 : i32 to index
      %swap3A_70 = arith.constant 0 : index
      %swap3A_71 = vector.load %arg16[%swap3A, %swap3A_70] : memref<10000x128xf32, #tpu.memory_space<vmem>>, vector<1000x128xf32>
      tpu.vector_store %arg16[%swap3A, %swap3A_70], %add3A_64 {strides = array<i32>} : memref<10000x128xf32, #tpu.memory_space<vmem>>, vector<1000x128xf32>,
      %mul3A_72 = arith.constant 1000 : i32
      %mul3A_73 = arith.muli %arg0, %mul3A_72 : i32
      %swap3A_74 = arith.index_cast %mul3A_73 : i32 to index
      %swap3A_75 = arith.constant 0 : index
      %swap3A_76 = vector.load %arg17[%swap3A_74, %swap3A_75] : memref<10000x128xf32, #tpu.memory_space<vmem>>, vector<1000x128xf32>
      tpu.vector_store %arg17[%swap3A_74, %swap3A_75], %get3A_67 {strides = array<i32>} : memref<10000x128xf32, #tpu.memory_space<vmem>>, vector<1000x128xf32>,
      %get3A_77 = arith.constant 0 : index
      %get3A_78 = arith.constant 0 : index
      %get3A_79 = vector.load %arg9[%get3A_77, %get3A_78] : memref<128x128xf32, #tpu.memory_space<vmem>>, vector<128x128xf32>
      %dot_general3A_80 = arith.constant dense<0.000000e+00> : vector<1000x128xf32>
      %dot_general3A_81 = tpu.matmul %add3A_64, %get3A_79, %dot_general3A_80 {dimension_numbers = #tpu.dot_dimension_numbers<[1], [0], [0], [1], [0, 0, 1, 1], [], []>, transpose_lhs_hint = false} : vector<1000x128xf32>, vector<128x128xf32>, vector<1000x128xf32> -> vector<1000x128xf32>
      %tanh3A = math.tanh %dot_general3A_81 : vector<1000x128xf32>
      %get3A_82 = arith.constant 0 : index
      %get3A_83 = arith.constant 0 : index
      %get3A_84 = vector.load %arg10[%get3A_82, %get3A_83] : memref<128x4xf32, #tpu.memory_space<vmem>>, vector<128x4xf32>
      %dot_general3A_85 = arith.constant dense<0.000000e+00> : vector<1000x4xf32>
      %dot_general3A_86 = tpu.matmul %tanh3A, %get3A_84, %dot_general3A_85 {dimension_numbers = #tpu.dot_dimension_numbers<[1], [0], [0], [1], [0, 0, 1, 1], [], []>, transpose_lhs_hint = false} : vector<1000x128xf32>, vector<128x4xf32>, vector<1000x4xf32> -> vector<1000x4xf32>
      %get3A_87 = arith.constant 0 : index
      %get3A_88 = arith.constant 0 : index
      %get3A_89 = vector.load %arg11[%get3A_87, %get3A_88] : memref<128x128xf32, #tpu.memory_space<vmem>>, vector<128x128xf32>
      %dot_general3A_90 = arith.constant dense<0.000000e+00> : vector<1000x128xf32>
      %dot_general3A_91 = tpu.matmul %get3A_67, %get3A_89, %dot_general3A_90 {dimension_numbers = #tpu.dot_dimension_numbers<[1], [0], [0], [1], [0, 0, 1, 1], [], []>, transpose_lhs_hint = false} : vector<1000x128xf32>, vector<128x128xf32>, vector<1000x128xf32> -> vector<1000x128xf32>
      %tanh3A_92 = math.tanh %dot_general3A_91 : vector<1000x128xf32>
      %get3A_93 = arith.constant 0 : index
      %get3A_94 = arith.constant 0 : index
      %get3A_95 = vector.load %arg12[%get3A_93, %get3A_94] : memref<128x4xf32, #tpu.memory_space<vmem>>, vector<128x4xf32>
      %dot_general3A_96 = arith.constant dense<0.000000e+00> : vector<1000x4xf32>
      %dot_general3A_97 = tpu.matmul %tanh3A_92, %get3A_95, %dot_general3A_96 {dimension_numbers = #tpu.dot_dimension_numbers<[1], [0], [0], [1], [0, 0, 1, 1], [], []>, transpose_lhs_hint = false} : vector<1000x128xf32>, vector<128x4xf32>, vector<1000x4xf32> -> vector<1000x4xf32>
      %concatenate3A_98 = tpu.concatenate %dot_general3A_86, %dot_general3A_97 in 1 : vector<1000x4xf32>, vector<1000x4xf32> -> vector<1000x8xf32>
      %mul3A_99 = arith.constant 1000 : i32
      %mul3A_100 = arith.muli %arg0, %mul3A_99 : i32
      %swap3A_101 = arith.index_cast %mul3A_100 : i32 to index
      %swap3A_102 = arith.constant 0 : index
      %swap3A_103 = vector.load %arg18[%swap3A_101, %swap3A_102] : memref<10000x8xf32, #tpu.memory_space<vmem>>, vector<1000x8xf32>
      tpu.vector_store %arg18[%swap3A_101, %swap3A_102], %concatenate3A_98 {strides = array<i32>} : memref<10000x8xf32, #tpu.memory_space<vmem>>, vector<1000x8xf32>,
    } else {
    }
    %eq3A = arith.constant 10 : i32
    %eq3A_2 = arith.cmpi eq, %arg0, %eq3A : i32
    %convert_element_type3A_3 = arith.extui %eq3A_2 : i1 to i32
    %cond3A_4 = arith.constant 0 : i32
    %cond3A_5 = arith.cmpi ne, %convert_element_type3A_3, %cond3A_4 : i32
    scf.if %cond3A_5 {
      %get3A = arith.constant 0 : index
      %get3A_6 = arith.constant 0 : index
      %get3A_7 = vector.load %arg18[%get3A, %get3A_6] : memref<10000x8xf32, #tpu.memory_space<vmem>>, vector<10000x8xf32>
      %reduce_max3A = arith.constant dense<0xFF800000> : vector<8xf32>
      %reduce_max3A_8 = vector.multi_reduction <maximumf>, %get3A_7, %reduce_max3A [0] : vector<10000x8xf32> to vector<8xf32>
      %broadcast_in_dim3A = vector.shape_cast %reduce_max3A_8 : vector<8xf32> to vector<1x8xf32>
      %sub3A = vector.broadcast %broadcast_in_dim3A : vector<1x8xf32> to vector<10000x8xf32>
      %sub3A_9 = arith.subf %get3A_7, %sub3A : vector<10000x8xf32>
      %exp3A = math.exp %sub3A_9 : vector<10000x8xf32>
      %reduce_sum3A = arith.constant dense<0.000000e+00> : vector<8xf32>
      %reduce_sum3A_10 = vector.multi_reduction <add>, %exp3A, %reduce_sum3A [0] : vector<10000x8xf32> to vector<8xf32>
      %broadcast_in_dim3A_11 = vector.shape_cast %reduce_sum3A_10 : vector<8xf32> to vector<1x8xf32>
      %slice3A = vector.extract_strided_slice %exp3A {offsets = [0, 0], sizes = [10000, 4], strides = [1, 1]} : vector<10000x8xf32> to vector<10000x4xf32>
      %get3A_12 = arith.constant 0 : index
      %get3A_13 = arith.constant 0 : index
      %get3A_14 = vector.load %arg16[%get3A_12, %get3A_13] : memref<10000x128xf32, #tpu.memory_space<vmem>>, vector<10000x128xf32>
      %dot_general3A = arith.constant dense<0.000000e+00> : vector<4x128xf32>
      %dot_general3A_15 = tpu.matmul %slice3A, %get3A_14, %dot_general3A {dimension_numbers = #tpu.dot_dimension_numbers<[0], [0], [1], [1], [0, 1, 1, 1], [], []>, transpose_lhs_hint = false} : vector<10000x4xf32>, vector<10000x128xf32>, vector<4x128xf32> -> vector<4x128xf32>
      %slice3A_16 = vector.extract_strided_slice %exp3A {offsets = [0, 4], sizes = [10000, 4], strides = [1, 1]} : vector<10000x8xf32> to vector<10000x4xf32>
      %get3A_17 = arith.constant 0 : index
      %get3A_18 = arith.constant 0 : index
      %get3A_19 = vector.load %arg17[%get3A_17, %get3A_18] : memref<10000x128xf32, #tpu.memory_space<vmem>>, vector<10000x128xf32>
      %dot_general3A_20 = arith.constant dense<0.000000e+00> : vector<4x128xf32>
      %dot_general3A_21 = tpu.matmul %slice3A_16, %get3A_19, %dot_general3A_20 {dimension_numbers = #tpu.dot_dimension_numbers<[0], [0], [1], [1], [0, 1, 1, 1], [], []>, transpose_lhs_hint = false} : vector<10000x4xf32>, vector<10000x128xf32>, vector<4x128xf32> -> vector<4x128xf32>
      %slice3A_22 = vector.extract_strided_slice %broadcast_in_dim3A_11 {offsets = [0, 0], sizes = [1, 4], strides = [1, 1]} : vector<1x8xf32> to vector<1x4xf32>
      %reshape3A = vector.shape_cast %slice3A_22 : vector<1x4xf32> to vector<4x1xf32>
      %slice3A_23 = vector.extract_strided_slice %broadcast_in_dim3A_11 {offsets = [0, 4], sizes = [1, 4], strides = [1, 1]} : vector<1x8xf32> to vector<1x4xf32>
      %reshape3A_24 = vector.shape_cast %slice3A_23 : vector<1x4xf32> to vector<4x1xf32>
      %div3A = vector.broadcast %reshape3A : vector<4x1xf32> to vector<4x128xf32>
      %div3A_25 = arith.divf %dot_general3A_15, %div3A : vector<4x128xf32>
      %reduce_sum3A_26 = arith.constant dense<0.000000e+00> : vector<128xf32>
      %reduce_sum3A_27 = vector.multi_reduction <add>, %div3A_25, %reduce_sum3A_26 [0] : vector<4x128xf32> to vector<128xf32>
      %broadcast_in_dim3A_28 = vector.shape_cast %reduce_sum3A_27 : vector<128xf32> to vector<1x128xf32>
      %div3A_29 = arith.constant 4.000000e+00 : f32
      %div3A_30 = vector.broadcast %div3A_29 : f32 to vector<1x128xf32>
      %div3A_31 = arith.divf %broadcast_in_dim3A_28, %div3A_30 : vector<1x128xf32>
      %div3A_32 = vector.broadcast %reshape3A_24 : vector<4x1xf32> to vector<4x128xf32>
      %div3A_33 = arith.divf %dot_general3A_21, %div3A_32 : vector<4x128xf32>
      %reduce_sum3A_34 = arith.constant dense<0.000000e+00> : vector<128xf32>
      %reduce_sum3A_35 = vector.multi_reduction <add>, %div3A_33, %reduce_sum3A_34 [0] : vector<4x128xf32> to vector<128xf32>
      %broadcast_in_dim3A_36 = vector.shape_cast %reduce_sum3A_35 : vector<128xf32> to vector<1x128xf32>
      %div3A_37 = arith.constant 4.000000e+00 : f32
      %div3A_38 = vector.broadcast %div3A_37 : f32 to vector<1x128xf32>
      %div3A_39 = arith.divf %broadcast_in_dim3A_36, %div3A_38 : vector<1x128xf32>
      %add3A = arith.addf %div3A_31, %div3A_39 : vector<1x128xf32>
      %get3A_40 = arith.constant 0 : index
      %get3A_41 = arith.constant 0 : index
      %get3A_42 = vector.load %arg13[%get3A_40, %get3A_41] : memref<128x1xf32, #tpu.memory_space<vmem>>, vector<128x1xf32>
      %dot_general3A_43 = arith.constant dense<0.000000e+00> : vector<1x1xf32>
      %dot_general3A_44 = tpu.matmul %add3A, %get3A_42, %dot_general3A_43 {dimension_numbers = #tpu.dot_dimension_numbers<[1], [0], [0], [1], [0, 0, 1, 1], [], []>, transpose_lhs_hint = false} : vector<1x128xf32>, vector<128x1xf32>, vector<1x1xf32> -> vector<1x1xf32>
      %get3A_45 = arith.constant 0 : index
      %get3A_46 = arith.constant 0 : index
      %get3A_47 = vector.load %arg14[%get3A_45, %get3A_46] : memref<1x1xf32, #tpu.memory_space<vmem>>, vector<1x1xf32>
      %add3A_48 = arith.addf %dot_general3A_44, %get3A_47 : vector<1x1xf32>
      %swap3A = arith.constant 0 : index
      %swap3A_49 = arith.constant 0 : index
      %swap3A_50 = vector.load %arg15[%swap3A, %swap3A_49] : memref<1x1xf32, #tpu.memory_space<vmem>>, vector<1x1xf32>
      tpu.vector_store %arg15[%swap3A, %swap3A_49], %add3A_48 {strides = array<i32>} : memref<1x1xf32, #tpu.memory_space<vmem>>, vector<1x1xf32>,
    } else {
    }
    return
  }
  func.func @transform_0(%arg0: i32) -> (i32, i32, i32) {
    %min3A = arith.constant 9 : i32
    %min3A_0 = arith.minsi %arg0, %min3A : i32
    %c0_i32 = arith.constant 0 : i32
    %c0_i32_1 = arith.constant 0 : i32
    %c0_i32_2 = arith.constant 0 : i32
    return %c0_i32, %min3A_0, %c0_i32_1 : i32, i32, i32
  }
  func.func @transform_1(%arg0: i32) -> (i32, i32) {
    %min3A = arith.constant 9 : i32
    %min3A_0 = arith.minsi %arg0, %min3A : i32
    %c0_i32 = arith.constant 0 : i32
    %c0_i32_1 = arith.constant 0 : i32
    return %min3A_0, %c0_i32 : i32, i32
  }
  func.func @transform_2(%arg0: i32) -> (i32, i32) {
    %min3A = arith.constant 9 : i32
    %min3A_0 = arith.minsi %arg0, %min3A : i32
    %c0_i32 = arith.constant 0 : i32
    %c0_i32_1 = arith.constant 0 : i32
    return %min3A_0, %c0_i32 : i32, i32
  }
  func.func @transform_3(%arg0: i32) -> (i32, i32) {
    %min3A = arith.constant 9 : i32
    %min3A_0 = arith.minsi %arg0, %min3A : i32
    %c0_i32 = arith.constant 0 : i32
    %c0_i32_1 = arith.constant 0 : i32
    return %min3A_0, %c0_i32 : i32, i32
  }
  func.func @transform_4(%arg0: i32) -> (i32, i32) {
    %c0_i32 = arith.constant 0 : i32
    %c0_i32_0 = arith.constant 0 : i32
    %c0_i32_1 = arith.constant 0 : i32
    return %c0_i32, %c0_i32_0 : i32, i32
  }
  func.func @transform_5(%arg0: i32) -> (i32, i32) {
    %c0_i32 = arith.constant 0 : i32
    %c0_i32_0 = arith.constant 0 : i32
    %c0_i32_1 = arith.constant 0 : i32
    return %c0_i32, %c0_i32_0 : i32, i32
  }
  func.func @transform_6(%arg0: i32) -> (i32, i32) {
    %c0_i32 = arith.constant 0 : i32
    %c0_i32_0 = arith.constant 0 : i32
    %c0_i32_1 = arith.constant 0 : i32
    return %c0_i32, %c0_i32_0 : i32, i32
  }
  func.func @transform_7(%arg0: i32) -> (i32, i32) {
    %c0_i32 = arith.constant 0 : i32
    %c0_i32_0 = arith.constant 0 : i32
    %c0_i32_1 = arith.constant 0 : i32
    return %c0_i32, %c0_i32_0 : i32, i32
  }
  func.func @transform_8(%arg0: i32) -> (i32, i32) {
    %c0_i32 = arith.constant 0 : i32
    %c0_i32_0 = arith.constant 0 : i32
    %c0_i32_1 = arith.constant 0 : i32
    return %c0_i32, %c0_i32_0 : i32, i32
  }
  func.func @transform_9(%arg0: i32) -> (i32, i32) {
    %c0_i32 = arith.constant 0 : i32
    %c0_i32_0 = arith.constant 0 : i32
    %c0_i32_1 = arith.constant 0 : i32
    return %c0_i32, %c0_i32_0 : i32, i32
  }
  func.func @transform_10(%arg0: i32) -> (i32, i32) {
    %c0_i32 = arith.constant 0 : i32
    %c0_i32_0 = arith.constant 0 : i32
    %c0_i32_1 = arith.constant 0 : i32
    return %c0_i32, %c0_i32_0 : i32, i32
  }
  func.func @transform_11(%arg0: i32) -> (i32, i32) {
    %c0_i32 = arith.constant 0 : i32
    %c0_i32_0 = arith.constant 0 : i32
    %c0_i32_1 = arith.constant 0 : i32
    return %c0_i32, %c0_i32_0 : i32, i32
  }
  func.func @transform_12(%arg0: i32) -> (i32, i32) {
    %c0_i32 = arith.constant 0 : i32
    %c0_i32_0 = arith.constant 0 : i32
    %c0_i32_1 = arith.constant 0 : i32
    return %c0_i32, %c0_i32_0 : i32, i32
  }
  func.func @transform_13(%arg0: i32) -> (i32, i32) {
    %c0_i32 = arith.constant 0 : i32
    %c0_i32_0 = arith.constant 0 : i32
    %c0_i32_1 = arith.constant 0 : i32
    return %c0_i32, %c0_i32_0 : i32, i32
  }
  func.func @transform_14(%arg0: i32) -> (i32, i32) {
    %c0_i32 = arith.constant 0 : i32
    %c0_i32_0 = arith.constant 0 : i32
    %c0_i32_1 = arith.constant 0 : i32
    return %c0_i32, %c0_i32_0 : i32, i32
  }
}

</mosaic_0001>

<sc_bundles>
// kernel: kernel.10.cloned.1.call-start
scs
__scs_entry_jumppad:
0x0: {  	(pc) =	sbr.rel $0x88, $3  }
0x1: {  	(tag) =	ssettag $0x0;
	lr =	simm.s32 $0x1  }
0x2: {  	[smem:$0x3F8F] =	sst lr;
	_ =	strace $0xD0000000  }
0x3: {  	_ = 	snop  }
0x4: {  	_ = 	snop  }
0x5: {  	_ = 	snop  }
0x6: {  	_ = 	snop  }
0x7: {  	_ = 	snop  }
__scs_overlays_trampoline_lowered:
0x8: {  	[smem:$0x3F9E] =	sst s0  }
0x9: {  	[smem:$0x3F9F] =	sst s1  }
0xa: {  	[smem:$0x3FA0] =	sst s2  }
0xb: {  	[smem:$0x3FA1] =	sst s3  }
0xc: {  	[smem:$0x3FA2] =	sst s4  }
0xd: {  	[smem:$0x3FA3] =	sst s5  }
0xe: {  	[smem:$0x3FA4] =	sst s6  }
0xf: {  	[smem:$0x3FA5] =	sst s7  }
0x10: {  	[smem:$0x3FA6] =	sst s8  }
0x11: {  	[smem:$0x3FA7] =	sst s9;
	s0 =	simm.s32 @!p0 $0x0  }
0x12: {  	s1 =	sld [smem:$0x3F8D];
	s0 =	simm.s32 @p0 $0x1  }
0x13: {  	[smem:$0x3FA8] =	sst s0;
	s0 =	simm.s32 @!p1 $0x0  }
0x14: {  	s2 =	sld [smem:$0x3F8C];
	s0 =	simm.s32 @p1 $0x1  }
0x15: {  	[smem:$0x3FA9] =	sst s0;
	s0 =	simm.s32 @!p2 $0x0  }
0x16: {  	s3 =	sld [smem:$0x3FDB];
	s0 =	simm.s32 @p2 $0x1  }
0x17: {  	s4 =	simm.s32 $0x1BF5;
	[smem:$0x3FAB] =	sst s0  }
0x18: {  	s0 =	sld [smem:$0x3F8E];
	_ =	swait.ge [sflag:s4], $0x0  }
0x19: {  	s7 =	sld [smem:$0x3F8F]  }
0x1a: {  	s8 =	sadd.s32 $0xFFFFE003, lr  }
0x1b: {  	s9 =	sadd.s32 $0xFFFFFEF7, lr;
	s5 =	simm.s32 $0xFFFFFFFF;
	p2 =	slt.u32 s8, $0xFFFFF086  }
0x1c: {  	p1 =	slt.u32 s9, $0xF7A;
	s5 =	simm.s32 @!p2 $0x0  }
0x1d: {  	s5 =	simm.s32 @p1 $0x1;
	p0 =	seq.s32 s7, s2  }
0x1e: {  	s7 =	smul.u32 @!p0 $0xF7A, s2;
	p2 =	seq.s32 @!p0 s5, $0x0  }
0x1f: {  	s9 =	smul.u32 $0xF7A, s1;
	s8 =	simm.s32 @!p0 $0x1BF5;
	p2 =	por !p2, p0  }
0x20: {  	[sflag:s8] =	ssyncset.s32 @!p0 $0xFFFFF086;
	s6 =	sadd.s32 @!p0 s3, s7;
	s7 =	simm.s32 @!p0 $0x108  }
0x21: {  	s3 =	sadd.s32 s3, s9;
	s6 =	sadd.s32 @!p0 $0x88, s6;
	s7 =	simm.s32 @p2 $0x1082  }
0x22: {  	[simem:s7], [sflag:s8] =	dma.local @!p0 [hbm:s6], $0xF7A  }
0x23: {  	s9 =	sor.u32 $0xD0000000, s2;
	s6 =	simm.s32 $0x108;
	_ =	swait.ge @!p0 [sflag:s8], $0x0  }
0x24: {  	s3 =	sadd.s32 $0x88, s3;
	s6 =	simm.s32 @!p1 $0x1082;
	[sflag:s4] =	ssyncset.s32 $0xFFFFF086  }
0x25: {  	[simem:s6], [sflag:s4] =	dma.local [hbm:s3], $0xF7A  }
0x26: {  	[smem:$0x3F8F] =	sst s1;
	(tag) =	ssettag s2;
	_ =	strace s9  }
0x27: {  	s1 =	sld [smem:$0x3F9F]  }
0x28: {  	s2 =	sld [smem:$0x3FA0]  }
0x29: {  	s4 =	sld [smem:$0x3FA2]  }
0x2a: {  	p0 =	seq.s32 s5, $0x0;
	s5 =	sld [smem:$0x3FA3]  }
0x2b: {  	s6 =	sld [smem:$0x3FA4]  }
0x2c: {  	s7 =	sld [smem:$0x3FA5]  }
0x2d: {  	s3 =	simm.s32 $0x108;
	s8 =	sld [smem:$0x3FA6]  }
0x2e: {  	s3 =	simm.s32 @!p0 $0x1082;
	s9 =	sld [smem:$0x3FA7]  }
0x2f: {  	lr =	sadd.s32 s0, s3;
	s0 =	sld [smem:$0x3F9E]  }
0x30: {  	s3 =	sld [smem:$0x3FA1]  }
0x31: {  	[smem:$0x3FAA] =	sst s10  }
0x32: {  	s10 =	sld [smem:$0x3FA8];
	_ =	sdelay $0x3  }
0x33: {  	p0 =	seq.s32 s10, $0x1;
	s10 =	sld [smem:$0x3FAA];
	_ =	sdelay $0x3  }
0x34: {  	[smem:$0x3FAA] =	sst s10  }
0x35: {  	s10 =	sld [smem:$0x3FA9];
	_ =	sdelay $0x3  }
0x36: {  	p1 =	seq.s32 s10, $0x1;
	s10 =	sld [smem:$0x3FAA];
	_ =	sdelay $0x3  }
0x37: {  	[smem:$0x3FAA] =	sst s10  }
0x38: {  	s10 =	sld [smem:$0x3FAB]  }
0x39: {  	_ = 	snop;
	(pc) =	sbr.ind lr, $3  }
0x3a: {  	_ = 	snop  }
0x3b: {  	_ = 	snop  }
0x3c: {  	p2 =	seq.s32 s10, $0x1;
	s10 =	sld [smem:$0x3FAA]  }
0x3d: {  	_ =	shalt  }
0x3e: {  	_ =	shalt  }
0x3f: {  	_ =	shalt  }
0x40: {  	_ =	shalt  }
0x41: {  	_ =	shalt  }
0x42: {  	_ =	shalt  }
0x43: {  	_ =	shalt  }
0x44: {  	_ =	shalt  }
0x45: {  	_ =	shalt  }
0x46: {  	_ =	shalt  }
0x47: {  	_ =	shalt  }
0x48: {  	_ =	shalt  }
0x49: {  	_ =	shalt  }
0x4a: {  	_ =	shalt  }
0x4b: {  	_ =	shalt  }
0x4c: {  	_ =	shalt  }
0x4d: {  	_ =	shalt  }
0x4e: {  	_ =	shalt  }
0x4f: {  	_ =	shalt  }
0x50: {  	_ =	shalt  }
0x51: {  	_ =	shalt  }
0x52: {  	_ =	shalt  }
0x53: {  	_ =	shalt  }
0x54: {  	_ =	shalt  }
0x55: {  	_ =	shalt  }
0x56: {  	_ =	shalt  }
0x57: {  	_ =	shalt  }
0x58: {  	_ =	shalt  }
0x59: {  	_ =	shalt  }
0x5a: {  	_ =	shalt  }
0x5b: {  	_ =	shalt  }
0x5c: {  	_ =	shalt  }
0x5d: {  	_ =	shalt  }
0x5e: {  	_ =	shalt  }
0x5f: {  	_ =	shalt  }
0x60: {  	_ =	shalt  }
0x61: {  	_ =	shalt  }
0x62: {  	_ =	shalt  }
0x63: {  	_ =	shalt  }
0x64: {  	_ =	shalt  }
0x65: {  	_ =	shalt  }
0x66: {  	_ =	shalt  }
0x67: {  	_ =	shalt  }
0x68: {  	_ =	shalt  }
0x69: {  	_ =	shalt  }
0x6a: {  	_ =	shalt  }
0x6b: {  	_ =	shalt  }
0x6c: {  	_ =	shalt  }
0x6d: {  	_ =	shalt  }
0x6e: {  	_ =	shalt  }
0x6f: {  	_ =	shalt  }
0x70: {  	_ =	shalt  }
0x71: {  	_ =	shalt  }
0x72: {  	_ =	shalt  }
0x73: {  	_ =	shalt  }
0x74: {  	_ =	shalt  }
0x75: {  	_ =	shalt  }
0x76: {  	_ =	shalt  }
0x77: {  	_ =	shalt  }
0x78: {  	_ =	shalt  }
0x79: {  	_ =	shalt  }
0x7a: {  	_ =	shalt  }
0x7b: {  	_ =	shalt  }
0x7c: {  	_ =	shalt  }
0x7d: {  	_ =	shalt  }
0x7e: {  	_ =	shalt  }
0x7f: {  	_ =	shalt  }
0x80: {  	_ =	shalt  }
0x81: {  	_ =	shalt  }
0x82: {  	_ =	shalt  }
0x83: {  	_ =	shalt  }
0x84: {  	_ =	shalt  }
0x85: {  	_ =	shalt  }
0x86: {  	_ =	shalt  }
0x87: {  	_ =	shalt  }
.Lfunc_end0:
.L_simem_size_0:
called_computation.1_lowered:
.L_overlay_start_0:
0x88: {  	s2 =	sld [smem:$0x3FD9]  }
0x89: {  	s3 =	sld [smem:$0x3FFE];
	_ =	sdelay $0x1  }
0x8a: {  	s1 =	srdreg.scid  }
0x8b: {  	s0 =	sand.u32 $0x1, s1  }
0x8c: {  	s16 =	sshll.u32 s0, $0xA;
	s2 =	sadd.s32 s3, s2  }
0x8d: {  	s2 =	sadd.s32 s2, s16  }
0x8e: {  	[smem:$0x3FB6] =	sst s2  }
0x8f: {  	_ = 	snop  }
0x90: {  	(tm) =	ssettm $0x1  }
0x91: {  	s17 =	sld [smem:$0x3FFB];
	_ =	sdelay $0x3  }
0x92: {  	_ =	strace s17  }
0x93: {  	s2 =	sld [smem:$0x3FFC];
	_ =	sdelay $0x3  }
0x94: {  	_ =	strace s2  }
0x95: {  	s2 =	sld [smem:$0x3FFD];
	_ =	sdelay $0x3  }
0x96: {  	_ =	strace s2  }
0x97: {  	_ =	strace $0x8FFFFFFF  }
0x98: {  	s18 =	sld [smem:$0x3FDB];
	_ =	sdelay $0x1  }
0x99: {  	s19 =	simm.s32 $_scs_section_size  }
0x9a: {  	s4 =	simm.s32 $_size__tile_overlayer_lowered;
	s5 =	simm.s32 $_tile_overlayer_lowered  }
0x9b: {  	s22 =	simm.s32 $0x1BFF;
	s21 =	sshll.u32 s5, $0x1;
	s2 =	sadd.s32 s19, s18  }
0x9c: {  	s6 =	simm.s32 $0x0;
	s20 =	sshll.u32 s4, $0x1;
	s4 =	sadd.s32 s21, s2  }
0x9d: {  	[timem:s6], [sflag:s22] =	dma.local [hbm:s4], s20  }
0x9e: {  	_ =	swait.ge [sflag:s22], s20  }
0x9f: {  	s3 =	ssub.s32 $0x0, s20;
	[sflag:s22] =	ssyncset.done $0x0  }
0xa0: {  	[sflag:s22] =	ssyncadd.s32 s3;
	_ =	sdelay $0x1  }
0xa1: {  	s23 =	simm.s32 $0x1B8B  }
0xa2: {  	_ =	swait.ge [sflag:s23], $0x1  }
0xa3: {  	[sflag:s23] =	ssyncset.done $0x0  }
0xa4: {  	s25 =	simm.s32 $0x1B8E;
	s24 =	sld [smem:$0x3FFE];
	[sflag:s23] =	ssyncadd.s32 $0xFFFFFFFF  }
0xa5: {  	s26 =	simm.s32 $execute0_lowered;
	[smem:$0x3FD2] =	sst s25  }
0xa6: {  	s4 =	sshll.u32 s26, $0x1;
	_ =	strace $0x80000049;
	[dreg:$0x1] =	wrdreg $0xFFFFFFFF  }
0xa7: {  	s28 =	simm.s32 $_size_execute0_lowered;
	s2 =	sadd.s32 s2, s4;
	[dreg:$0x0] =	wrdreg $0x0  }
0xa8: {  	s4 =	sshll.u32 s28, $0x1;
	[dreg:$0x2] =	wrdreg s2  }
0xa9: {  	[dreg:$0x3] =	wrdreg s4  }
0xaa: {  	[dreg:$0x4] =	wrdreg $0xC0  }
0xab: {  	_ =	task [dreg:s6], $0x5FFFF  }
0xac: {  	[dreg:$0x1] =	wrdreg $0xFFFFFFFF  }
0xad: {  	[dreg:$0x0] =	wrdreg $0x60  }
0xae: {  	[dreg:$0x2] =	wrdreg s24  }
0xaf: {  	[dreg:$0x3] =	wrdreg $0x0  }
0xb0: {  	[dreg:$0x4] =	wrdreg $0x9C400  }
0xb1: {  	[dreg:$0x5] =	wrdreg $0x9  }
0xb2: {  	_ =	task.clear_ibuf [dreg:s6], $0x6FFFF;
	_ =	strace $0x90000049  }
0xb3: {  	s29 =	simm.s32 $0x9;
	_ =	strace $0x8000004B  }
0xb4: {  	_ =	swait.ge [sflag:s29], $0x1  }
0xb5: {  	[sflag:s29] =	ssyncadd.s32 $0xFFFFFFFF  }
0xb6: {  	_ =	strace $0x9000004B  }
0xb7: {  	_ =	sfence  }
0xb8: {  	s30 =	sld [smem:$0x0];
	_ =	sdelay $0x2  }
0xb9: {  	s31 =	sshll.u32 s1, $0xD;
	s1 =	sshrl.u32 s1, $0x2  }
0xba: {  	s3 =	sand.u32 $0x4000, s31;
	s1 =	sadd.s32 s1, s30  }
0xbb: {  	s0 =	sor.u32 s3, s0;
	s1 =	sshll.u32 s1, $0x11  }
0xbc: {  	s0 =	sor.u32 s1, s0  }
0xbd: {  	s0 =	sadd.s32 $0x8F2B, s0  }
0xbe: {  	[sflag:s0] =	ssyncadd.remote.s32 $0x1  }
0xbf: {  	_ =	sfence.sel $0xFFFF  }
0xc0: {  	[dreg:$0x0] =	wrdreg $0xFFFFFFFF;
	(pc) =	sbr.abs _section_cstart, $3  }
0xc1: {  	[dreg:$0x1] =	wrdreg $0xFFFFFFFF  }
0xc2: {  	_ =	task.clear_ibuf [dreg:s6], $0x2FFFF;
	_ =	strace $0x9FFFFFFF  }
0xc3: {  	(tm) =	ssettm $0x7FFFFFFF  }
tec
execute0_lowered:
.L_overlay_start_1:
0x0: {  	(tag) =	ssettag $0x1  }
0x1: {  	s8 =	rddreg [dreg:$0x0]  }
0x2: {  	s2 =	rddreg [dreg:$0x1]  }
0x3: {  	s3 =	rddreg [dreg:$0x2]  }
0x4: {  	s0 =	rddreg [dreg:$0x3];
	s1 =	stileid.u32  }
0x5: {  	s6 =	srdreg.scid;
	s4 =	simm.s32 $0x0;
	s20 =	simm.s32 $0x1  }
0x6: {  	s21 =	simm.s32 $0x13900;
	s22 =	simm.s32 $0x80;
	s5 =	smul.u32 $0x9C0, s1  }
0x7: {  	s23 =	simm.s32 $0x13980;
	s24 =	simm.s32 $0x0;
	s7 =	smul.u32 $0x2700, s1  }
0x8: {  	s6 =	sand.u32 $0x1, s6;
	[smem:$0x7FF] =	sst s4;
	s10 =	smul.u32 $0x13800, s1  }
0x9: {  	s11 =	sadd.s32 $0x16800, s8;
	s31 =	smul.u32 $0x4E000, s1;
	s19 =	sadd.s32 $0x124800, s3  }
0xa: {  	s12 =	sadd.s32 $0x8BC00, s8;
	p0 =	seq.s32 s1, $0xF;
	s9 =	smul.u32 $0x138800, s6  }
0xb: {  	_ =	strace $0x8000004A;
	s6 =	ssub.s32 $0x2, s6;
	s13 =	sadd.s32 s5, s8  }
0xc: {  	s7 =	sadd.s32 s7, s8;
	s14 =	sshrl.u32 s6, $0x1;
	s15 =	sshrl.u32 s31, $0x2  }
0xd: {  	s8 =	sadd.s32 $0x89300, s8;
	s10 =	sadd.s32 s10, s9;
	s14 =	ssub.s32 s6, s14  }
0xe: {  	s17 =	sadd.s32 s15, s2;
	s18 =	sadd.s32 s15, s3;
	s9 =	sshrl.u32 s9, $0x3  }
0xf: {  	s6 =	sadd.s32 $0x64A00, s7;
	s15 =	sadd.s32 $0x124800, s2;
	s10 =	sshrl.u32 s10, $0x3  }
0x10: {  	s16 =	sadd.s32 $0x24900, s9;
	s17 =	sshrl.u32 @!p0 s17, $0x3;
	s18 =	sshrl.u32 @!p0 s18, $0x3  }
0x11: {  	s5 =	sadd.s32 s11, s10;
	s7 =	sadd.s32 s11, s16;
	s9 =	sadd.s32 s12, s10  }
0x12: {  	s10 =	sadd.s32 s12, s16;
	s11 =	smax.u32 s14, $0x1;
	s12 =	sadd.s32 $0x2C00, s13  }
0x13: {  	s13 =	sadd.s32 $0xCA00, s13;
	s14 =	sshrl.u32 @p0 s15, $0x3;
	s16 =	sshll.u32 @!p0 s1, $0x6  }
0x14: {  	s15 =	sshrl.u32 @p0 s19, $0x3;
	s19 =	simm.s32 $0x13880;
	s16 =	sor.u32 @!p0 $0x1C01, s16  }
.LBB2_1:
0x15: {  	s26 =	simm.s32 @p0 $0x1FC1;
	s25 =	simm.s32 @p0 $0x1  }
0x16: {  	[spmem:s14], [sflag:s26] =	dma.local @p0 [hbm:s7], $0x2800  }
0x17: {  	_ =	swait.ge @p0 [sflag:s25], $0x2800  }
0x18: {  	[sflag:s25] =	ssyncset.done @p0 $0x0  }
0x19: {  	[sflag:s25] =	ssyncadd.s32 @p0 $0xFFFFD800  }
0x1a: {  	[spmem:s15], [sflag:s26] =	dma.local @p0 [hbm:s8], $0x2800  }
0x1b: {  	_ =	swait.ge @p0 [sflag:s25], $0x2800  }
0x1c: {  	[sflag:s25] =	ssyncset.done @p0 $0x0  }
0x1d: {  	s28 =	simm.s32 @!p0 $0x1;
	[sflag:s25] =	ssyncadd.s32 @p0 $0xFFFFD800  }
0x1e: {  	[spmem:s17], [sflag:s16] =	dma.local @!p0 [hbm:s5], $0x2700  }
0x1f: {  	_ =	swait.ge @!p0 [sflag:s28], $0x2700  }
0x20: {  	[sflag:s28] =	ssyncset.done @!p0 $0x0  }
0x21: {  	[sflag:s28] =	ssyncadd.s32 @!p0 $0xFFFFD900  }
0x22: {  	[spmem:s18], [sflag:s16] =	dma.local @!p0 [hbm:s6], $0x2700  }
0x23: {  	_ =	swait.ge @!p0 [sflag:s28], $0x2700  }
0x24: {  	[sflag:s28] =	ssyncset.done @!p0 $0x0  }
0x25: {  	[sflag:s28] =	ssyncadd.s32 @!p0 $0xFFFFD900  }
0x26: {  	[bflag:$0x0] =	sbarrier.arrive $0xFFFF  }
0x27: {  	[tilespmem:s19], [sflag:$0x1] =	stream.linear.gather [hbm4b:s13+s4], $0x80, $0x38;
	[tilespmem:$0x17980] =	vst v63  }
0x28: {  	_ =	swait.ge [sflag:s20], $0x80  }
0x29: {  	[sflag:s20] =	ssyncset.done $0x0  }
0x2a: {  	[sflag:s20] =	ssyncadd.s32 $0xFFFFFF80  }
0x2b: {  	[tilespmem:s21], [sflag:$0x1] =	stream.linear.gather [hbm4b:s12+s4], $0x80, $0x38;
	[tilespmem:$0x17980] =	vst v63  }
0x2c: {  	_ =	swait.ge [sflag:s20], $0x80  }
0x2d: {  	s29 =	simm.s32 @!p0 $0x9C;
	[sflag:s20] =	ssyncset.done $0x0  }
0x2e: {  	s29 =	simm.s32 @p0 $0xA0;
	[sflag:s20] =	ssyncadd.s32 $0xFFFFFF80  }
0x2f: {  	[tilespmem:s23], [sflag:$0x1] =	stream.indirect.gather [spmem:s2], $0x40, s19, s22, $0xb8;
	[tilespmem:$0x17980] =	vst v63  }
0x30: {  	p1 =	sne.s32 s29, $0x1;
	_ =	swait.ge [sflag:s20], $0x2000  }
.Ltmp0:
0x31: {  	[sflag:s20] =	ssyncset.done $0x0;
	(pc) =	sbr.rel @!p1 .LBB2_3-.Ltmp0, $4  }
0x32: {  	[sflag:s20] =	ssyncadd.s32 $0xFFFFE000  }
0x33: {  	[spmem:s3] =	stream.indirect.scatter.add.f32 [tilespmem:s23], [sflag:$0x1], $0x40, s21, s22, $0xb8;
	[tilespmem:$0x17980] =	vst v63  }
0x34: {  	s30 =	smov.u32 s12;
	_ =	swait.ge [sflag:s20], $0x2000  }
0x35: {  	s31 =	smov.u32 s13;
	s29 =	sadd.s32 $0xFFFFFFFF, s29;
	[sflag:s20] =	ssyncset.done $0x0  }
.LBB2_2:
0x36: {  	[sflag:s20] =	ssyncadd.s32 $0xFFFFE000;
	s30 =	sadd.s32 $0x10, s30;
	s31 =	sadd.s32 $0x10, s31  }
0x37: {  	[tilespmem:s19], [sflag:$0x1] =	stream.linear.gather [hbm4b:s31+s4], $0x80, $0x38;
	[tilespmem:$0x17980] =	vst v63  }
0x38: {  	p1 =	sne.s32 s29, $0x1;
	s29 =	sadd.s32 $0xFFFFFFFF, s29;
	_ =	swait.ge [sflag:s20], $0x80  }
0x39: {  	[sflag:s20] =	ssyncset.done $0x0  }
0x3a: {  	[sflag:s20] =	ssyncadd.s32 $0xFFFFFF80  }
0x3b: {  	[tilespmem:s21], [sflag:$0x1] =	stream.linear.gather [hbm4b:s30+s4], $0x80, $0x38;
	[tilespmem:$0x17980] =	vst v63  }
0x3c: {  	_ =	swait.ge [sflag:s20], $0x80  }
0x3d: {  	[sflag:s20] =	ssyncset.done $0x0  }
0x3e: {  	[sflag:s20] =	ssyncadd.s32 $0xFFFFFF80  }
0x3f: {  	[tilespmem:s23], [sflag:$0x1] =	stream.indirect.gather [spmem:s2], $0x40, s19, s22, $0xb8;
	[tilespmem:$0x17980] =	vst v63  }
0x40: {  	_ =	swait.ge [sflag:s20], $0x2000  }
.Ltmp1:
0x41: {  	[sflag:s20] =	ssyncset.done $0x0;
	(pc) =	sbr.rel @p1 .LBB2_2-.Ltmp1, $4  }
0x42: {  	[sflag:s20] =	ssyncadd.s32 $0xFFFFE000  }
0x43: {  	[spmem:s3] =	stream.indirect.scatter.add.f32 [tilespmem:s23], [sflag:$0x1], $0x40, s21, s22, $0xb8;
	[tilespmem:$0x17980] =	vst v63  }
0x44: {  	_ =	swait.ge [sflag:s20], $0x2000  }
0x45: {  	[sflag:s20] =	ssyncset.done $0x0  }
.LBB2_3:
0x46: {  	[sflag:s20] =	ssyncadd.s32 $0xFFFFE000  }
0x47: {  	[bflag:$0x0] =	sbarrier.arrive $0xFFFF  }
0x48: {  	[hbm:s10], [sflag:s26] =	dma.local @p0 [spmem:s15], $0x2800  }
0x49: {  	s24 =	sadd.s32 $0x1, s24;
	_ =	swait.ge @p0 [sflag:s25], $0x2800  }
0x4a: {  	p1 =	sne.s32 s24, s11;
	[sflag:s25] =	ssyncset.done @p0 $0x0  }
.Ltmp2:
0x4b: {  	[sflag:s25] =	ssyncadd.s32 @p0 $0xFFFFD800;
	(pc) =	sbr.rel @p1 .LBB2_1-.Ltmp2, $4  }
0x4c: {  	[hbm:s9], [sflag:s16] =	dma.local @!p0 [spmem:s18], $0x2700  }
0x4d: {  	_ =	swait.ge @!p0 [sflag:s28], $0x2700  }
0x4e: {  	[sflag:s28] =	ssyncset.done @!p0 $0x0  }
0x4f: {  	[sflag:s28] =	ssyncadd.s32 @!p0 $0xFFFFD900  }
0x50: {  	_ =	sfence.sel $0x180000  }
0x51: {  	[bflag:$0x0] =	sbarrier.arrive $0xFFFF  }
0x52: {  	p0 =	sne.s32 s1, $0x0;
	_ =	strace $0x9000004A  }
0x53: {  	s0 =	sadd.s32 @!p0 $0x100000, s0;
	[bflag:$0x2] =	sbarrier.arrive $0xFFFF  }
0x54: {  	[sflag:s0] =	ssyncadd.tile.s32 @!p0 $0x1;
	_ =	shalt  }
.Lfunc_end2:
_tile_overlayer_lowered:
.L_overlay_start_2:
0x55: {  	(tag) =	ssettag $0x2  }
0x56: {  	s0 =	rddreg [dreg:$0x0];
	s2 =	stileid.u32  }
0x57: {  	s1 =	rddreg [dreg:$0x1];
	p0 =	sne.s32 s2, $0x0  }
0x58: {  	s3 =	rddreg [dreg:$0x2];
	[bflag:$0x3] =	sbarrier.arrive $0xFFFF;
	s2 =	simm.s32 @!p0 $0x1C01  }
0x59: {  	[timem:s3], [sflag:s2] =	dma.local @!p0 [hbm:s0], s1  }
0x5a: {  	s0 =	simm.s32 @!p0 $0x1  }
0x5b: {  	_ =	swait.ge @!p0 [sflag:s0], s1  }
0x5c: {  	s1 =	ssub.s32 @!p0 $0x0, s1;
	[sflag:s0] =	ssyncset.done @!p0 $0x0  }
0x5d: {  	[sflag:s0] =	ssyncadd.s32 @!p0 s1  }
0x5e: {  	[bflag:$0x3] =	sbarrier.arrive $0xFFFF  }
0x5f: {  	_ =	shalt  }

// kernel: kernel.7.cloned.1.call-start
scs
__scs_entry_jumppad:
0x0: {  	(pc) =	sbr.rel $0x88, $3  }
0x1: {  	(tag) =	ssettag $0x0;
	lr =	simm.s32 $0x1  }
0x2: {  	[smem:$0x3F8F] =	sst lr;
	_ =	strace $0xD0000000  }
0x3: {  	_ = 	snop  }
0x4: {  	_ = 	snop  }
0x5: {  	_ = 	snop  }
0x6: {  	_ = 	snop  }
0x7: {  	_ = 	snop  }
__scs_overlays_trampoline_lowered:
0x8: {  	[smem:$0x3F9E] =	sst s0  }
0x9: {  	[smem:$0x3F9F] =	sst s1  }
0xa: {  	[smem:$0x3FA0] =	sst s2  }
0xb: {  	[smem:$0x3FA1] =	sst s3  }
0xc: {  	[smem:$0x3FA2] =	sst s4  }
0xd: {  	[smem:$0x3FA3] =	sst s5  }
0xe: {  	[smem:$0x3FA4] =	sst s6  }
0xf: {  	[smem:$0x3FA5] =	sst s7  }
0x10: {  	[smem:$0x3FA6] =	sst s8  }
0x11: {  	[smem:$0x3FA7] =	sst s9;
	s0 =	simm.s32 @!p0 $0x0  }
0x12: {  	s1 =	sld [smem:$0x3F8D];
	s0 =	simm.s32 @p0 $0x1  }
0x13: {  	[smem:$0x3FA8] =	sst s0;
	s0 =	simm.s32 @!p1 $0x0  }
0x14: {  	s2 =	sld [smem:$0x3F8C];
	s0 =	simm.s32 @p1 $0x1  }
0x15: {  	[smem:$0x3FA9] =	sst s0;
	s0 =	simm.s32 @!p2 $0x0  }
0x16: {  	s3 =	sld [smem:$0x3FDB];
	s0 =	simm.s32 @p2 $0x1  }
0x17: {  	s4 =	simm.s32 $0x1BF5;
	[smem:$0x3FAB] =	sst s0  }
0x18: {  	s0 =	sld [smem:$0x3F8E];
	_ =	swait.ge [sflag:s4], $0x0  }
0x19: {  	s7 =	sld [smem:$0x3F8F]  }
0x1a: {  	s8 =	sadd.s32 $0xFFFFE003, lr  }
0x1b: {  	s9 =	sadd.s32 $0xFFFFFEF7, lr;
	s5 =	simm.s32 $0xFFFFFFFF;
	p2 =	slt.u32 s8, $0xFFFFF086  }
0x1c: {  	p1 =	slt.u32 s9, $0xF7A;
	s5 =	simm.s32 @!p2 $0x0  }
0x1d: {  	s5 =	simm.s32 @p1 $0x1;
	p0 =	seq.s32 s7, s2  }
0x1e: {  	s7 =	smul.u32 @!p0 $0xF7A, s2;
	p2 =	seq.s32 @!p0 s5, $0x0  }
0x1f: {  	s9 =	smul.u32 $0xF7A, s1;
	s8 =	simm.s32 @!p0 $0x1BF5;
	p2 =	por !p2, p0  }
0x20: {  	[sflag:s8] =	ssyncset.s32 @!p0 $0xFFFFF086;
	s6 =	sadd.s32 @!p0 s3, s7;
	s7 =	simm.s32 @!p0 $0x108  }
0x21: {  	s3 =	sadd.s32 s3, s9;
	s6 =	sadd.s32 @!p0 $0x88, s6;
	s7 =	simm.s32 @p2 $0x1082  }
0x22: {  	[simem:s7], [sflag:s8] =	dma.local @!p0 [hbm:s6], $0xF7A  }
0x23: {  	s9 =	sor.u32 $0xD0000000, s2;
	s6 =	simm.s32 $0x108;
	_ =	swait.ge @!p0 [sflag:s8], $0x0  }
0x24: {  	s3 =	sadd.s32 $0x88, s3;
	s6 =	simm.s32 @!p1 $0x1082;
	[sflag:s4] =	ssyncset.s32 $0xFFFFF086  }
0x25: {  	[simem:s6], [sflag:s4] =	dma.local [hbm:s3], $0xF7A  }
0x26: {  	[smem:$0x3F8F] =	sst s1;
	(tag) =	ssettag s2;
	_ =	strace s9  }
0x27: {  	s1 =	sld [smem:$0x3F9F]  }
0x28: {  	s2 =	sld [smem:$0x3FA0]  }
0x29: {  	s4 =	sld [smem:$0x3FA2]  }
0x2a: {  	p0 =	seq.s32 s5, $0x0;
	s5 =	sld [smem:$0x3FA3]  }
0x2b: {  	s6 =	sld [smem:$0x3FA4]  }
0x2c: {  	s7 =	sld [smem:$0x3FA5]  }
0x2d: {  	s3 =	simm.s32 $0x108;
	s8 =	sld [smem:$0x3FA6]  }
0x2e: {  	s3 =	simm.s32 @!p0 $0x1082;
	s9 =	sld [smem:$0x3FA7]  }
0x2f: {  	lr =	sadd.s32 s0, s3;
	s0 =	sld [smem:$0x3F9E]  }
0x30: {  	s3 =	sld [smem:$0x3FA1]  }
0x31: {  	[smem:$0x3FAA] =	sst s10  }
0x32: {  	s10 =	sld [smem:$0x3FA8];
	_ =	sdelay $0x3  }
0x33: {  	p0 =	seq.s32 s10, $0x1;
	s10 =	sld [smem:$0x3FAA];
	_ =	sdelay $0x3  }
0x34: {  	[smem:$0x3FAA] =	sst s10  }
0x35: {  	s10 =	sld [smem:$0x3FA9];
	_ =	sdelay $0x3  }
0x36: {  	p1 =	seq.s32 s10, $0x1;
	s10 =	sld [smem:$0x3FAA];
	_ =	sdelay $0x3  }
0x37: {  	[smem:$0x3FAA] =	sst s10  }
0x38: {  	s10 =	sld [smem:$0x3FAB]  }
0x39: {  	_ = 	snop;
	(pc) =	sbr.ind lr, $3  }
0x3a: {  	_ = 	snop  }
0x3b: {  	_ = 	snop  }
0x3c: {  	p2 =	seq.s32 s10, $0x1;
	s10 =	sld [smem:$0x3FAA]  }
0x3d: {  	_ =	shalt  }
0x3e: {  	_ =	shalt  }
0x3f: {  	_ =	shalt  }
0x40: {  	_ =	shalt  }
0x41: {  	_ =	shalt  }
0x42: {  	_ =	shalt  }
0x43: {  	_ =	shalt  }
0x44: {  	_ =	shalt  }
0x45: {  	_ =	shalt  }
0x46: {  	_ =	shalt  }
0x47: {  	_ =	shalt  }
0x48: {  	_ =	shalt  }
0x49: {  	_ =	shalt  }
0x4a: {  	_ =	shalt  }
0x4b: {  	_ =	shalt  }
0x4c: {  	_ =	shalt  }
0x4d: {  	_ =	shalt  }
0x4e: {  	_ =	shalt  }
0x4f: {  	_ =	shalt  }
0x50: {  	_ =	shalt  }
0x51: {  	_ =	shalt  }
0x52: {  	_ =	shalt  }
0x53: {  	_ =	shalt  }
0x54: {  	_ =	shalt  }
0x55: {  	_ =	shalt  }
0x56: {  	_ =	shalt  }
0x57: {  	_ =	shalt  }
0x58: {  	_ =	shalt  }
0x59: {  	_ =	shalt  }
0x5a: {  	_ =	shalt  }
0x5b: {  	_ =	shalt  }
0x5c: {  	_ =	shalt  }
0x5d: {  	_ =	shalt  }
0x5e: {  	_ =	shalt  }
0x5f: {  	_ =	shalt  }
0x60: {  	_ =	shalt  }
0x61: {  	_ =	shalt  }
0x62: {  	_ =	shalt  }
0x63: {  	_ =	shalt  }
0x64: {  	_ =	shalt  }
0x65: {  	_ =	shalt  }
0x66: {  	_ =	shalt  }
0x67: {  	_ =	shalt  }
0x68: {  	_ =	shalt  }
0x69: {  	_ =	shalt  }
0x6a: {  	_ =	shalt  }
0x6b: {  	_ =	shalt  }
0x6c: {  	_ =	shalt  }
0x6d: {  	_ =	shalt  }
0x6e: {  	_ =	shalt  }
0x6f: {  	_ =	shalt  }
0x70: {  	_ =	shalt  }
0x71: {  	_ =	shalt  }
0x72: {  	_ =	shalt  }
0x73: {  	_ =	shalt  }
0x74: {  	_ =	shalt  }
0x75: {  	_ =	shalt  }
0x76: {  	_ =	shalt  }
0x77: {  	_ =	shalt  }
0x78: {  	_ =	shalt  }
0x79: {  	_ =	shalt  }
0x7a: {  	_ =	shalt  }
0x7b: {  	_ =	shalt  }
0x7c: {  	_ =	shalt  }
0x7d: {  	_ =	shalt  }
0x7e: {  	_ =	shalt  }
0x7f: {  	_ =	shalt  }
0x80: {  	_ =	shalt  }
0x81: {  	_ =	shalt  }
0x82: {  	_ =	shalt  }
0x83: {  	_ =	shalt  }
0x84: {  	_ =	shalt  }
0x85: {  	_ =	shalt  }
0x86: {  	_ =	shalt  }
0x87: {  	_ =	shalt  }
.Lfunc_end0:
.L_simem_size_0:
called_computation_lowered:
.L_overlay_start_0:
0x88: {  	s2 =	sld [smem:$0x3FD9]  }
0x89: {  	s3 =	sld [smem:$0x3FFE];
	_ =	sdelay $0x1  }
0x8a: {  	s1 =	srdreg.scid  }
0x8b: {  	s0 =	sand.u32 $0x1, s1  }
0x8c: {  	s16 =	sshll.u32 s0, $0xA;
	s2 =	sadd.s32 s3, s2  }
0x8d: {  	s2 =	sadd.s32 s2, s16  }
0x8e: {  	[smem:$0x3FB6] =	sst s2  }
0x8f: {  	_ = 	snop  }
0x90: {  	(tm) =	ssettm $0x1  }
0x91: {  	s17 =	sld [smem:$0x3FFB];
	_ =	sdelay $0x3  }
0x92: {  	_ =	strace s17  }
0x93: {  	s2 =	sld [smem:$0x3FFC];
	_ =	sdelay $0x3  }
0x94: {  	_ =	strace s2  }
0x95: {  	s2 =	sld [smem:$0x3FFD];
	_ =	sdelay $0x3  }
0x96: {  	_ =	strace s2  }
0x97: {  	_ =	strace $0x8FFFFFFF  }
0x98: {  	s18 =	sld [smem:$0x3FDB];
	_ =	sdelay $0x1  }
0x99: {  	s19 =	simm.s32 $_scs_section_size  }
0x9a: {  	s4 =	simm.s32 $_size__tile_overlayer_lowered;
	s5 =	simm.s32 $_tile_overlayer_lowered  }
0x9b: {  	s22 =	simm.s32 $0x1BFF;
	s21 =	sshll.u32 s5, $0x1;
	s2 =	sadd.s32 s19, s18  }
0x9c: {  	s6 =	simm.s32 $0x0;
	s20 =	sshll.u32 s4, $0x1;
	s4 =	sadd.s32 s21, s2  }
0x9d: {  	[timem:s6], [sflag:s22] =	dma.local [hbm:s4], s20  }
0x9e: {  	_ =	swait.ge [sflag:s22], s20  }
0x9f: {  	s3 =	ssub.s32 $0x0, s20;
	[sflag:s22] =	ssyncset.done $0x0  }
0xa0: {  	[sflag:s22] =	ssyncadd.s32 s3;
	_ =	sdelay $0x1  }
0xa1: {  	s23 =	simm.s32 $0x1B8B  }
0xa2: {  	_ =	swait.ge [sflag:s23], $0x1  }
0xa3: {  	[sflag:s23] =	ssyncset.done $0x0  }
0xa4: {  	s25 =	simm.s32 $0x1B8E;
	s24 =	sld [smem:$0x3FFE];
	[sflag:s23] =	ssyncadd.s32 $0xFFFFFFFF  }
0xa5: {  	s26 =	simm.s32 $execute0_lowered;
	[smem:$0x3FD2] =	sst s25  }
0xa6: {  	s4 =	sshll.u32 s26, $0x1;
	_ =	strace $0x80000046;
	[dreg:$0x1] =	wrdreg $0xFFFFFFFF  }
0xa7: {  	s28 =	simm.s32 $_size_execute0_lowered;
	s2 =	sadd.s32 s2, s4;
	[dreg:$0x0] =	wrdreg $0x0  }
0xa8: {  	s4 =	sshll.u32 s28, $0x1;
	[dreg:$0x2] =	wrdreg s2  }
0xa9: {  	[dreg:$0x3] =	wrdreg s4  }
0xaa: {  	[dreg:$0x4] =	wrdreg $0xC0  }
0xab: {  	_ =	task [dreg:s6], $0x5FFFF  }
0xac: {  	[dreg:$0x1] =	wrdreg $0xFFFFFFFF  }
0xad: {  	[dreg:$0x0] =	wrdreg $0x60  }
0xae: {  	[dreg:$0x2] =	wrdreg s24  }
0xaf: {  	[dreg:$0x3] =	wrdreg $0x0  }
0xb0: {  	[dreg:$0x4] =	wrdreg $0x9C400  }
0xb1: {  	[dreg:$0x5] =	wrdreg $0x179800  }
0xb2: {  	[dreg:$0x6] =	wrdreg $0x9  }
0xb3: {  	_ =	task.clear_ibuf [dreg:s6], $0x7FFFF;
	_ =	strace $0x90000046  }
0xb4: {  	s29 =	simm.s32 $0x9;
	_ =	strace $0x80000048  }
0xb5: {  	_ =	swait.ge [sflag:s29], $0x1  }
0xb6: {  	[sflag:s29] =	ssyncadd.s32 $0xFFFFFFFF  }
0xb7: {  	_ =	strace $0x90000048  }
0xb8: {  	_ =	sfence  }
0xb9: {  	s30 =	sld [smem:$0x0];
	_ =	sdelay $0x2  }
0xba: {  	s31 =	sshll.u32 s1, $0xD;
	s1 =	sshrl.u32 s1, $0x2  }
0xbb: {  	s3 =	sand.u32 $0x4000, s31;
	s1 =	sadd.s32 s1, s30  }
0xbc: {  	s0 =	sor.u32 s3, s0;
	s1 =	sshll.u32 s1, $0x11  }
0xbd: {  	s0 =	sor.u32 s1, s0  }
0xbe: {  	s0 =	sadd.s32 $0x8F2B, s0  }
0xbf: {  	[sflag:s0] =	ssyncadd.remote.s32 $0x1  }
0xc0: {  	_ =	sfence.sel $0xFFFF  }
0xc1: {  	[dreg:$0x0] =	wrdreg $0xFFFFFFFF;
	(pc) =	sbr.abs _section_cstart, $3  }
0xc2: {  	[dreg:$0x1] =	wrdreg $0xFFFFFFFF  }
0xc3: {  	_ =	task.clear_ibuf [dreg:s6], $0x2FFFF;
	_ =	strace $0x9FFFFFFF  }
0xc4: {  	(tm) =	ssettm $0x7FFFFFFF  }
0xc5: {  	_ =	shalt  }
tec
execute0_lowered:
.L_overlay_start_1:
0x0: {  	(tag) =	ssettag $0x1  }
0x1: {  	s0 =	rddreg [dreg:$0x0]  }
0x2: {  	s1 =	rddreg [dreg:$0x1]  }
0x3: {  	s2 =	rddreg [dreg:$0x2]  }
0x4: {  	s4 =	rddreg [dreg:$0x3];
	s5 =	simm.s32 $0x0  }
0x5: {  	s19 =	stileid.u32;
	s8 =	srdreg.scid;
	s28 =	simm.s32 $0x13900  }
0x6: {  	s29 =	simm.s32 $0x80;
	s30 =	simm.s32 $0x13980;
	s3 =	smul.u32 $0x9C0, s19  }
0x7: {  	s31 =	simm.s32 $0x0;
	[smem:$0x7FF] =	sst s5;
	s7 =	smul.u32 $0x2700, s19  }
0x8: {  	s6 =	sadd.s32 $0x16800, s0;
	s9 =	smul.u32 $0x280, s19;
	s8 =	sand.u32 $0x1, s8  }
0x9: {  	s12 =	sadd.s32 $0x8C200, s0;
	p0 =	seq.s32 s19, $0xF;
	s24 =	smul.u32 $0x4E000, s19  }
0xa: {  	p1 =	sne.s32 s19, $0xF;
	s21 =	sadd.s32 $0x124800, s1;
	s25 =	smul.u32 $0x13800, s19  }
0xb: {  	s18 =	sadd.s32 $0x89300, s0;
	s20 =	smul.u32 $0xA00, s19;
	s19 =	sadd.s32 $0x8C0B0, s0  }
0xc: {  	_ =	strace $0x80000047;
	s22 =	ssub.s32 $0x2, s8;
	s14 =	smul.u32 $0x138800, s8  }
0xd: {  	[dreg:$0x6] =	wrdreg s18;
	p3 =	seq.s32 s8, $0x0;
	p4 =	sne.s32 s8, $0x0  }
0xe: {  	s3 =	sadd.s32 s3, s0;
	s11 =	sadd.s32 s7, s0;
	s10 =	sshrl.u32 s9, $0x3  }
0xf: {  	s13 =	sshrl.u32 s22, $0x1;
	p2 =	por !p3, !p1;
	p3 =	por !p3, !p0  }
0x10: {  	s15 =	sadd.s32 s10, s0;
	s16 =	ssub.s32 s22, s13;
	s23 =	sshrl.u32 s14, $0x3  }
0x11: {  	s10 =	sshrl.u32 s24, $0x2;
	s13 =	sadd.s32 s25, s14;
	s22 =	sadd.s32 $0x64A00, s11  }
0x12: {  	s11 =	stileid.u32;
	p2 =	por !p2, !p2;
	p3 =	por !p3, !p3  }
0x13: {  	s14 =	sadd.s32 $0x2580, s4;
	s17 =	sadd.s32 $0x24900, s23;
	s24 =	sadd.s32 s10, s1  }
0x14: {  	s26 =	sshrl.u32 s13, $0x3;
	s10 =	sadd.s32 s10, s2;
	[dreg:$0x8] =	wrdreg s22  }
0x15: {  	s23 =	sshrl.u32 s20, $0x2;
	s13 =	simm.s32 $0x9C;
	s18 =	sadd.s32 $0x8BC00, s15  }
0x16: {  	s20 =	smax.u32 s16, $0x1;
	s16 =	sadd.s32 $0x2C00, s3;
	s22 =	sadd.s32 $0xCA00, s3  }
0x17: {  	p5 =	por !p2, !p1;
	s7 =	sadd.s32 s6, s17;
	s6 =	sadd.s32 s6, s26  }
0x18: {  	s13 =	simm.s32 @!p1 $0xA0;
	s25 =	sadd.s32 s12, s17;
	[dreg:$0x5] =	wrdreg s7  }
0x19: {  	s26 =	sadd.s32 s12, s26;
	s17 =	sadd.s32 s9, s4;
	[dreg:$0x7] =	wrdreg s6  }
0x1a: {  	s24 =	sshrl.u32 @!p0 s24, $0x3;
	s7 =	sadd.s32 $0x124800, s2;
	[dreg:$0xa] =	wrdreg s25  }
0x1b: {  	s6 =	sadd.s32 s23, s4;
	[dreg:$0xb] =	wrdreg s26;
	s23 =	sshrl.u32 @p0 s21, $0x3  }
0x1c: {  	v0 =	vimm.f32 $0.0e+00;
	v1 =	vimm.f32 $1.000000000e+00;
	s25 =	simm.s32 $0x13880;
	s26 =	simm.s32 $0x2;
	[dreg:$0x9] =	wrdreg s6  }
.LBB2_1:
0x1d: {  	s0 =	simm.s32 @p0 $0x1FC1;
	s3 =	rddreg [dreg:$0x5]  }
0x1e: {  	[spmem:s23], [sflag:s0] =	dma.local @p0 [hbm:s3], $0x2800  }
0x1f: {  	s3 =	simm.s32 @p0 $0x1  }
0x20: {  	_ =	swait.ge @p0 [sflag:s3], $0x2800  }
0x21: {  	[sflag:s3] =	ssyncset.done @p0 $0x0  }
0x22: {  	s6 =	sshrl.u32 @p0 s7, $0x3;
	s8 =	rddreg [dreg:$0x6];
	[sflag:s3] =	ssyncadd.s32 @p0 $0xFFFFD800  }
0x23: {  	[spmem:s6], [sflag:s0] =	dma.local @p0 [hbm:s8], $0x2800  }
0x24: {  	_ =	swait.ge @p0 [sflag:s3], $0x2800  }
0x25: {  	s0 =	sshll.u32 @!p0 s11, $0x6;
	[sflag:s3] =	ssyncset.done @p0 $0x0  }
0x26: {  	s0 =	sor.u32 @!p0 $0x1C01, s0;
	[sflag:s3] =	ssyncadd.s32 @p0 $0xFFFFD800;
	s3 =	rddreg [dreg:$0x7]  }
0x27: {  	[spmem:s24], [sflag:s0] =	dma.local @!p0 [hbm:s3], $0x2700  }
0x28: {  	s3 =	simm.s32 @!p0 $0x1  }
0x29: {  	_ =	swait.ge @!p0 [sflag:s3], $0x2700  }
0x2a: {  	[sflag:s3] =	ssyncset.done @!p0 $0x0  }
0x2b: {  	s6 =	sshrl.u32 @!p0 s10, $0x3;
	s8 =	rddreg [dreg:$0x8];
	[sflag:s3] =	ssyncadd.s32 @!p0 $0xFFFFD900  }
0x2c: {  	[spmem:s6], [sflag:s0] =	dma.local @!p0 [hbm:s8], $0x2700  }
0x2d: {  	_ =	swait.ge @!p0 [sflag:s3], $0x2700  }
0x2e: {  	[sflag:s3] =	ssyncset.done @!p0 $0x0  }
0x2f: {  	[sflag:s3] =	ssyncadd.s32 @!p0 $0xFFFFD900  }
0x30: {  	[tilespmem:$0x17C78] =	vst v0  }
0x31: {  	[tilespmem:$0x17C88] =	vst v0  }
0x32: {  	[tilespmem:$0x17C98] =	vst v0  }
0x33: {  	[tilespmem:$0x17CA8] =	vst v0  }
0x34: {  	[tilespmem:$0x17CB8] =	vst v0  }
0x35: {  	[tilespmem:$0x17CC8] =	vst v0  }
0x36: {  	[tilespmem:$0x17CD8] =	vst v0  }
0x37: {  	[tilespmem:$0x17CE8] =	vst v0  }
0x38: {  	[tilespmem:$0x17CF8] =	vst v0  }
0x39: {  	[tilespmem:$0x17D08] =	vst v0  }
0x3a: {  	[tilespmem:$0x17D18] =	vst v0  }
0x3b: {  	[tilespmem:$0x17D28] =	vst v0  }
0x3c: {  	[tilespmem:$0x17D38] =	vst v0  }
0x3d: {  	[tilespmem:$0x17D48] =	vst v0  }
0x3e: {  	[tilespmem:$0x17D58] =	vst v0  }
0x3f: {  	[tilespmem:$0x17D68] =	vst v0  }
0x40: {  	[tilespmem:$0x17D78] =	vst v0  }
0x41: {  	[tilespmem:$0x17D88] =	vst v0  }
0x42: {  	[tilespmem:$0x17D98] =	vst v0  }
0x43: {  	[tilespmem:$0x17DA8] =	vst v0  }
0x44: {  	[tilespmem:$0x17DB8] =	vst v0  }
0x45: {  	[tilespmem:$0x17DC8] =	vst v0  }
0x46: {  	[tilespmem:$0x17DD8] =	vst v0  }
0x47: {  	[tilespmem:$0x17DE8] =	vst v0  }
0x48: {  	[tilespmem:$0x17DF8] =	vst v0  }
0x49: {  	[tilespmem:$0x17E08] =	vst v0  }
0x4a: {  	[tilespmem:$0x17E18] =	vst v0  }
0x4b: {  	[tilespmem:$0x17E28] =	vst v0  }
0x4c: {  	[tilespmem:$0x17E38] =	vst v0  }
0x4d: {  	[tilespmem:$0x17E48] =	vst v0  }
0x4e: {  	[tilespmem:$0x17E58] =	vst v0  }
0x4f: {  	[tilespmem:$0x17E68] =	vst v0  }
0x50: {  	[tilespmem:$0x17E78] =	vst v0  }
0x51: {  	[tilespmem:$0x17E88] =	vst v0  }
0x52: {  	[tilespmem:$0x17E98] =	vst v0  }
0x53: {  	[tilespmem:$0x17EA8] =	vst v0  }
0x54: {  	[tilespmem:$0x17EB8] =	vst v0  }
0x55: {  	[tilespmem:$0x17EC8] =	vst v0  }
0x56: {  	[tilespmem:$0x17ED8] =	vst v0  }
0x57: {  	s0 =	simm.s32 @p2 $0x17C78;
	s3 =	rddreg [dreg:$0x9];
	[tilespmem:$0x17EE8] =	vst v0  }
0x58: {  	[spmem:s3] =	stream.linear.scatter @p2 [tilespmem:s0], [sflag:$0x1], $0x280, $0x38;
	[tilespmem:$0x17EF8] =	vst v63  }
0x59: {  	s0 =	simm.s32 @p2 $0x1  }
0x5a: {  	_ =	swait.ge @p2 [sflag:s0], $0x280  }
0x5b: {  	[sflag:s0] =	ssyncset.done @p2 $0x0  }
0x5c: {  	s6 =	simm.s32 @p3 $0x17C78;
	[sflag:s0] =	ssyncadd.s32 @p2 $0xFFFFFD80;
	s0 =	simm.s32 @p3 $0x1  }
0x5d: {  	[spmem:s14] =	stream.linear.scatter @p3 [tilespmem:s6], [sflag:$0x1], $0x190, $0x38;
	[tilespmem:$0x17EF8] =	vst v63  }
0x5e: {  	_ =	swait.ge @p3 [sflag:s0], $0x190  }
0x5f: {  	[sflag:s0] =	ssyncset.done @p3 $0x0  }
0x60: {  	[sflag:s0] =	ssyncadd.s32 @p3 $0xFFFFFE70  }
0x61: {  	[tilespmem:$0x17BF8] =	vst v1  }
0x62: {  	[tilespmem:$0x17C08] =	vst v1  }
0x63: {  	[tilespmem:$0x17C18] =	vst v1  }
0x64: {  	[tilespmem:$0x17C28] =	vst v1  }
0x65: {  	[tilespmem:$0x17C38] =	vst v1  }
0x66: {  	[tilespmem:$0x17C48] =	vst v1  }
0x67: {  	[tilespmem:$0x17C58] =	vst v1  }
0x68: {  	[tilespmem:$0x17C68] =	vst v1  }
0x69: {  	[bflag:$0x0] =	sbarrier.arrive $0xFFFF  }
0x6a: {  	[tilespmem:s25], [sflag:$0x2] =	stream.linear.gather [hbm4b:s22+s5], $0x80, $0x38;
	[tilespmem:$0x17EF8] =	vst v63  }
0x6b: {  	_ =	swait.ge [sflag:s26], $0x80  }
0x6c: {  	[sflag:s26] =	ssyncset.done $0x0  }
0x6d: {  	[sflag:s26] =	ssyncadd.s32 $0xFFFFFF80  }
0x6e: {  	[tilespmem:s28], [sflag:$0x2] =	stream.linear.gather [hbm4b:s16+s5], $0x80, $0x38;
	[tilespmem:$0x17EF8] =	vst v63  }
0x6f: {  	_ =	swait.ge [sflag:s26], $0x80  }
0x70: {  	[sflag:s26] =	ssyncset.done $0x0  }
0x71: {  	[sflag:s26] =	ssyncadd.s32 $0xFFFFFF80  }
0x72: {  	[tilespmem:s30], [sflag:$0x2] =	stream.indirect.gather [spmem:s1], $0x40, s25, s29, $0xb8;
	[tilespmem:$0x17EF8] =	vst v63  }
0x73: {  	_ =	swait.ge [sflag:s26], $0x2000  }
0x74: {  	[sflag:s26] =	ssyncset.done $0x0  }
0x75: {  	s3 =	sadd.s32 $0xFFFFFFFF, s13;
	[sflag:s26] =	ssyncadd.s32 $0xFFFFE000  }
0x76: {  	[spmem:s2] =	stream.indirect.scatter.add.f32 [tilespmem:s30], [sflag:$0x2], $0x40, s28, s29, $0xb8;
	[tilespmem:$0x17EF8] =	vst v63  }
0x77: {  	s9 =	simm.s32 @!p4 $0x17BF8;
	p6 =	sne.s32 s3, $0x0;
	_ =	swait.ge [sflag:s26], $0x2000  }
.Ltmp0:
0x78: {  	s12 =	simm.s32 @!p4 $0x13900;
	[sflag:s26] =	ssyncset.done $0x0;
	(pc) =	sbr.rel @!p6 .LBB2_3-.Ltmp0, $4  }
0x79: {  	s11 =	simm.s32 @!p4 $0x80;
	s8 =	simm.s32 @!p4 $0x1;
	[sflag:s26] =	ssyncadd.s32 $0xFFFFE000  }
0x7a: {  	[spmem:s4] =	stream.indirect.scatter.add.f32 @!p4 [tilespmem:s9], [sflag:$0x1], $0x1, s12, s11, $0xb8;
	[tilespmem:$0x17EF8] =	vst v63  }
0x7b: {  	_ =	swait.ge @!p4 [sflag:s8], $0x80  }
0x7c: {  	s15 =	sadd.s32 $0x10, s22;
	s21 =	smov.u32 s16;
	[sflag:s8] =	ssyncset.done @!p4 $0x0  }
.LBB2_2:
0x7d: {  	s3 =	sadd.s32 $0xFFFFFFFF, s3;
	[sflag:s8] =	ssyncadd.s32 @!p4 $0xFFFFFF80;
	s21 =	sadd.s32 $0x10, s21  }
0x7e: {  	[tilespmem:s25], [sflag:$0x2] =	stream.linear.gather [hbm4b:s15+s5], $0x80, $0x38;
	[tilespmem:$0x17EF8] =	vst v63  }
0x7f: {  	p6 =	sne.s32 s3, $0x0;
	_ =	swait.ge [sflag:s26], $0x80  }
0x80: {  	[sflag:s26] =	ssyncset.done $0x0  }
0x81: {  	[sflag:s26] =	ssyncadd.s32 $0xFFFFFF80  }
0x82: {  	[tilespmem:s28], [sflag:$0x2] =	stream.linear.gather [hbm4b:s21+s5], $0x80, $0x38;
	[tilespmem:$0x17EF8] =	vst v63  }
0x83: {  	_ =	swait.ge [sflag:s26], $0x80  }
0x84: {  	[sflag:s26] =	ssyncset.done $0x0  }
0x85: {  	[sflag:s26] =	ssyncadd.s32 $0xFFFFFF80  }
0x86: {  	[tilespmem:s30], [sflag:$0x2] =	stream.indirect.gather [spmem:s1], $0x40, s25, s29, $0xb8;
	[tilespmem:$0x17EF8] =	vst v63  }
0x87: {  	_ =	swait.ge [sflag:s26], $0x2000  }
0x88: {  	[sflag:s26] =	ssyncset.done $0x0  }
0x89: {  	[sflag:s26] =	ssyncadd.s32 $0xFFFFE000  }
0x8a: {  	[spmem:s2] =	stream.indirect.scatter.add.f32 [tilespmem:s30], [sflag:$0x2], $0x40, s28, s29, $0xb8;
	[tilespmem:$0x17EF8] =	vst v63  }
0x8b: {  	_ =	swait.ge [sflag:s26], $0x2000  }
.Ltmp1:
0x8c: {  	[sflag:s26] =	ssyncset.done $0x0;
	(pc) =	sbr.rel @p6 .LBB2_2-.Ltmp1, $4  }
0x8d: {  	[sflag:s26] =	ssyncadd.s32 $0xFFFFE000  }
0x8e: {  	[spmem:s4] =	stream.indirect.scatter.add.f32 @!p4 [tilespmem:s9], [sflag:$0x1], $0x1, s12, s11, $0xb8;
	[tilespmem:$0x17EF8] =	vst v63  }
0x8f: {  	_ =	swait.ge @!p4 [sflag:s8], $0x80  }
0x90: {  	s15 =	sadd.s32 $0x10, s15;
	[sflag:s8] =	ssyncset.done @!p4 $0x0  }
.LBB2_3:
0x91: {  	[sflag:s8] =	ssyncadd.s32 @!p4 $0xFFFFFF80;
	s11 =	stileid.u32  }
0x92: {  	s3 =	sshll.u32 @p1 s11, $0x6;
	[bflag:$0x0] =	sbarrier.arrive $0xFFFF  }
0x93: {  	s8 =	sshrl.u32 @p1 s10, $0x3;
	s3 =	sor.u32 @p1 $0x1C01, s3;
	s9 =	rddreg [dreg:$0xb]  }
0x94: {  	[hbm:s9], [sflag:s3] =	dma.local @p1 [spmem:s8], $0x2700  }
0x95: {  	s3 =	simm.s32 @p1 $0x1  }
0x96: {  	_ =	swait.ge @p1 [sflag:s3], $0x2700  }
0x97: {  	[sflag:s3] =	ssyncset.done @p1 $0x0  }
0x98: {  	s8 =	simm.s32 @!p5 $0x1;
	[sflag:s3] =	ssyncadd.s32 @p1 $0xFFFFD900;
	s3 =	simm.s32 @!p5 $0x17C78  }
0x99: {  	[tilespmem:s3], [sflag:$0x1] =	stream.linear.gather @!p5 [spmem:s17], $0x280, $0x38;
	[tilespmem:$0x17EF8] =	vst v63  }
0x9a: {  	_ =	swait.ge @!p5 [sflag:s8], $0x280  }
0x9b: {  	[sflag:s8] =	ssyncset.done @!p5 $0x0  }
0x9c: {  	s9 =	simm.s32 @!p5 $0x0;
	[sflag:s8] =	ssyncadd.s32 @!p5 $0xFFFFFD80  }
0x9d: {  	[hbm4b:s18+s9] =	stream.linear.scatter @!p5 [tilespmem:s3], [sflag:$0x1], $0x280, $0x38;
	[tilespmem:$0x17EF8] =	vst v63  }
0x9e: {  	_ =	swait.ge @!p5 [sflag:s8], $0x280  }
0x9f: {  	s3 =	sshrl.u32 @!p1 s7, $0x3;
	[sflag:s8] =	ssyncset.done @!p5 $0x0  }
0xa0: {  	s9 =	rddreg [dreg:$0xa];
	[sflag:s8] =	ssyncadd.s32 @!p5 $0xFFFFFD80;
	s8 =	simm.s32 @!p1 $0x1FC1  }
0xa1: {  	[hbm:s9], [sflag:s8] =	dma.local @!p1 [spmem:s3], $0x2800  }
0xa2: {  	s3 =	simm.s32 @!p1 $0x1  }
0xa3: {  	_ =	swait.ge @!p1 [sflag:s3], $0x2800  }
0xa4: {  	[sflag:s3] =	ssyncset.done @!p1 $0x0  }
0xa5: {  	[sflag:s3] =	ssyncadd.s32 @!p1 $0xFFFFD800  }
0xa6: {  	[tilespmem:s6], [sflag:$0x1] =	stream.linear.gather @p3 [spmem:s14], $0x190, $0x38;
	[tilespmem:$0x17EF8] =	vst v63  }
0xa7: {  	s31 =	sadd.s32 $0x1, s31;
	_ =	swait.ge @p3 [sflag:s0], $0x190  }
0xa8: {  	p6 =	sne.s32 s31, s20;
	[sflag:s0] =	ssyncset.done @p3 $0x0  }
.Ltmp2:
0xa9: {  	s3 =	simm.s32 @p3 $0x0;
	[sflag:s0] =	ssyncadd.s32 @p3 $0xFFFFFE70;
	(pc) =	sbr.rel @p6 .LBB2_1-.Ltmp2, $4  }
0xaa: {  	[hbm4b:s19+s3] =	stream.linear.scatter @p3 [tilespmem:s6], [sflag:$0x1], $0x190, $0x38;
	[tilespmem:$0x17EF8] =	vst v63  }
0xab: {  	_ =	swait.ge @p3 [sflag:s0], $0x190  }
0xac: {  	[sflag:s0] =	ssyncset.done @p3 $0x0  }
0xad: {  	[sflag:s0] =	ssyncadd.s32 @p3 $0xFFFFFE70  }
0xae: {  	_ =	sfence.sel $0x180000  }
0xaf: {  	[bflag:$0x0] =	sbarrier.arrive $0xFFFF  }
0xb0: {  	_ =	strace $0x90000047  }
0xb1: {  	[bflag:$0x2] =	sbarrier.arrive $0xFFFF  }
0xb2: {  	p0 =	sne.s32 s11, $0x0;
	s0 =	rddreg [dreg:$0x4]  }
0xb3: {  	s0 =	sadd.s32 @!p0 $0x100000, s0  }
0xb4: {  	[sflag:s0] =	ssyncadd.tile.s32 @!p0 $0x1;
	_ =	shalt  }
.Lfunc_end2:
_tile_overlayer_lowered:
.L_overlay_start_2:
0xb5: {  	(tag) =	ssettag $0x2  }
0xb6: {  	s0 =	rddreg [dreg:$0x0];
	s2 =	stileid.u32  }
0xb7: {  	s1 =	rddreg [dreg:$0x1];
	p0 =	sne.s32 s2, $0x0  }
0xb8: {  	s3 =	rddreg [dreg:$0x2];
	[bflag:$0x3] =	sbarrier.arrive $0xFFFF;
	s2 =	simm.s32 @!p0 $0x1C01  }
0xb9: {  	[timem:s3], [sflag:s2] =	dma.local @!p0 [hbm:s0], s1  }
0xba: {  	s0 =	simm.s32 @!p0 $0x1  }
0xbb: {  	_ =	swait.ge @!p0 [sflag:s0], s1  }
0xbc: {  	s1 =	ssub.s32 @!p0 $0x0, s1;
	[sflag:s0] =	ssyncset.done @!p0 $0x0  }
0xbd: {  	[sflag:s0] =	ssyncadd.s32 @!p0 s1  }
0xbe: {  	[bflag:$0x3] =	sbarrier.arrive $0xFFFF  }
0xbf: {  	_ =	shalt  }

</sc_bundles>
